<compile_context>
chip_gen: v7x
topology: tpu7x:2x2x1
jax: 0.10.2.dev20260603
libtpu: 0.0.44.dev20260713+nightly
codegen_flags: <defaults>
</compile_context>

<pallas_src>
import functools

import jax
import jax.numpy as jnp
from jax import lax
from jax.experimental import pallas as pl
from jax.experimental.pallas import tpu as pltpu
from jax.experimental.pallas import tpu_sc as plsc

NC = 2
NS = 16
NW = NC * NS
CH = 128
ZR = 64


def _zero_vmem_1d(ref, n):
    def body(i, c):
        ref[pl.ds(i * 16, 16)] = jnp.zeros((16,), jnp.float32)
        return c
    lax.fori_loop(0, n // 16, body, 0)


def _zero_vmem_2d(ref, rows):
    def body(i, c):
        r = i // 8
        j = i % 8
        ref[r, pl.ds(j * 16, 16)] = jnp.zeros((16,), jnp.float32)
        return c
    lax.fori_loop(0, rows * 8, body, 0)


def _make_deg_kernel(np_, nch):
    stripe = np_ // NS
    mesh = plsc.VectorSubcoreMesh(core_axis_name="c", subcore_axis_name="s",
                                  num_cores=NC, num_subcores=NS)

    @functools.partial(
        pl.kernel,
        out_type=jax.ShapeDtypeStruct((NC * np_,), jnp.float32),
        mesh=mesh,
        scratch_types=[
            pltpu.VMEM((nch, CH), jnp.int32),
            pltpu.VMEM((CH,), jnp.float32),
            pltpu.VMEM((stripe,), jnp.float32),
            pltpu.VMEM_SHARED((np_,), jnp.float32),
        ],
    )
    def deg_kernel(dst_hbm, degp_hbm, idx_v, ones_v, zb_v, deg_sh):
        c = lax.axis_index("c")
        s = lax.axis_index("s")
        w = c * NS + s

        _zero_vmem_1d(zb_v, stripe)

        def ones_body(i, cc):
            ones_v[pl.ds(i * 16, 16)] = jnp.ones((16,), jnp.float32)
            return cc
        lax.fori_loop(0, CH // 16, ones_body, 0)

        pltpu.sync_copy(zb_v, deg_sh.at[pl.ds(s * stripe, stripe)])
        pltpu.sync_copy(dst_hbm.at[pl.ds(w * nch, nch), :], idx_v)
        plsc.subcore_barrier()

        def body(j, cc):
            pltpu.sync_copy(ones_v, deg_sh.at[idx_v.at[j]], add=True)
            return cc
        lax.fori_loop(0, nch, body, 0)

        plsc.subcore_barrier()
        pltpu.sync_copy(deg_sh.at[pl.ds(s * stripe, stripe)],
                        degp_hbm.at[pl.ds(c * np_ + s * stripe, stripe)])

    return deg_kernel


def _make_agg_kernel(np_, nch, d):
    stripe = np_ // NS
    mesh = plsc.VectorSubcoreMesh(core_axis_name="c", subcore_axis_name="s",
                                  num_cores=NC, num_subcores=NS)

    @functools.partial(
        pl.kernel,
        out_type=jax.ShapeDtypeStruct((NC, np_, d), jnp.float32),
        mesh=mesh,
        scratch_types=[
            pltpu.VMEM((nch // 2, CH), jnp.int32),
            pltpu.VMEM((nch // 2, CH), jnp.int32),
            pltpu.VMEM((CH, d), jnp.float32),
            pltpu.VMEM((CH, d), jnp.float32),
            pltpu.VMEM_SHARED((np_, d), jnp.float32),
            pltpu.SemaphoreType.DMA,
            pltpu.SemaphoreType.DMA,
        ],
    )
    def agg_kernel(g_hbm, src_hbm, dst_hbm, accp_hbm,
                   sidx, didx, r0, r1, acc_sh, s0, s1):
        c = lax.axis_index("c")
        s = lax.axis_index("s")
        w = c * NS + s
        slots = ((r0, s0), (r1, s1))
        hch = nch // 2

        _zero_vmem_2d(r0, CH)

        def zbody(i, cc):
            pltpu.sync_copy(r0, acc_sh.at[pl.ds(s * stripe + i * CH, CH), :])
            return cc
        lax.fori_loop(0, stripe // CH, zbody, 0)
        plsc.subcore_barrier()

        for h in range(2):
            base = (w * 2 + h) * hch
            pltpu.sync_copy(src_hbm.at[pl.ds(base, hch), :], sidx)
            pltpu.sync_copy(dst_hbm.at[pl.ds(base, hch), :], didx)

            for bi, (rbuf, sm) in enumerate(slots):
                pltpu.async_copy(g_hbm.at[sidx.at[bi]], rbuf, sm)

            def body(o, cc):
                for bi, (rbuf, sm) in enumerate(slots):
                    j = o * 2 + bi
                    pltpu.make_async_copy(g_hbm.at[sidx.at[j]], rbuf, sm).wait()
                    pltpu.sync_copy(rbuf, acc_sh.at[didx.at[j]], add=True)
                    nj = j + 2

                    @pl.when(nj < hch)
                    def _():
                        pltpu.async_copy(g_hbm.at[sidx.at[nj]], rbuf, sm)
                return cc
            lax.fori_loop(0, hch // 2, body, 0)

        plsc.subcore_barrier()
        pltpu.sync_copy(acc_sh.at[pl.ds(s * stripe, stripe), :],
                        accp_hbm.at[c, pl.ds(s * stripe, stripe), :])

    return agg_kernel


def _mm_body(x_ref, w_ref, degp_ref, g_ref):
    deg = degp_ref[0, :] + degp_ref[1, :] + 1.0
    dinv = lax.rsqrt(deg)
    h = jnp.dot(x_ref[:, :], w_ref[:, :], preferred_element_type=jnp.float32)
    g_ref[:, :] = h * dinv[:, None]


def _out_body(acc_ref, g_ref, degp_ref, b_ref, o_ref):
    deg = degp_ref[0, :] + degp_ref[1, :] + 1.0
    dinv = lax.rsqrt(deg)
    t = (acc_ref[0, :, :] + acc_ref[1, :, :] + g_ref[:, :]) * dinv[:, None]
    t = t + b_ref[:, :]
    m = jnp.max(t, axis=1, keepdims=True)
    lse = jnp.log(jnp.sum(jnp.exp(t - m), axis=1, keepdims=True)) + m
    o_ref[:, :] = t - lse


def kernel(x, edge_index, W, b):
    n, d_in = x.shape
    d = W.shape[1]
    e = edge_index.shape[1]

    np_ = ((n + 2048) // 2048) * 2048
    epw = (((e + NW - 1) // NW) + 8 * CH - 1) // (8 * CH) * (8 * CH)
    nch = epw // CH
    ep = epw * NW
    dummy = np_ - 1

    src = jnp.concatenate(
        [edge_index[0], jnp.full((ep - e,), dummy, jnp.int32)]).reshape(-1, CH)
    dst = jnp.concatenate(
        [edge_index[1], jnp.full((ep - e,), dummy, jnp.int32)]).reshape(-1, CH)
    x_pad = jnp.pad(x, ((0, np_ - n), (0, 0)))
    b2 = b.reshape(1, d)

    degp = _make_deg_kernel(np_, nch)(dst).reshape(NC, np_)

    bm = 512
    g = pl.pallas_call(
        _mm_body,
        grid=(np_ // bm,),
        in_specs=[
            pl.BlockSpec((bm, d_in), lambda i: (i, 0)),
            pl.BlockSpec((d_in, d), lambda i: (0, 0)),
            pl.BlockSpec((NC, bm), lambda i: (0, i)),
        ],
        out_specs=pl.BlockSpec((bm, d), lambda i: (i, 0)),
        out_shape=jax.ShapeDtypeStruct((np_, d), jnp.float32),
    )(x_pad, W, degp)

    accp = _make_agg_kernel(np_, nch, d)(g, src, dst)

    bo = 512
    out = pl.pallas_call(
        _out_body,
        grid=(np_ // bo,),
        in_specs=[
            pl.BlockSpec((NC, bo, d), lambda i: (0, i, 0)),
            pl.BlockSpec((bo, d), lambda i: (i, 0)),
            pl.BlockSpec((NC, bo), lambda i: (0, i)),
            pl.BlockSpec((1, d), lambda i: (0, 0)),
        ],
        out_specs=pl.BlockSpec((bo, d), lambda i: (i, 0)),
        out_shape=jax.ShapeDtypeStruct((np_, d), jnp.float32),
    )(accp, g, degp, b2)

    return out[:n]

# --- scband reference (transcript-rebuilt; emitter-appended) ---
"""Pipeline reference for scband-cls-2310692405649 (READ-ONLY COPY).

The authoritative reference and input builder live on the scoring server;
editing this copy changes nothing except your own understanding.
"""

import jax, jax.numpy as jnp
import numpy as np

N = 10000
E = 320000
D_IN = 128
D_OUT = 128

def setup_inputs(seed: int = 0) -> dict:
    key = jax.random.key(seed)
    k1, k2, k3 = jax.random.split(key, 3)
    x = jax.random.normal(k1, (N, D_IN), dtype=jnp.float32)
    edge_index = jax.random.randint(k2, (2, E), 0, N, dtype=jnp.int32)
    # GCNConv weight (glorot-ish) and bias
    W = jax.random.normal(k3, (D_IN, D_OUT), dtype=jnp.float32) * (1.0 / np.sqrt(D_IN))
    b = jnp.zeros((D_OUT,), dtype=jnp.float32)
    return {"x": x, "edge_index": edge_index, "W": W, "b": b}

def reference(x, edge_index, W, b):
    # GCNConv(cached=False, add_self_loops=True, normalize=True) followed by log_softmax
    n = x.shape[0]
    loop = jnp.arange(n, dtype=edge_index.dtype)
    src = jnp.concatenate([edge_index[0], loop])
    dst = jnp.concatenate([edge_index[1], loop])
    # symmetric normalization: deg^{-1/2}[src] * deg^{-1/2}[dst], deg over targets with self-loops
    deg = jnp.zeros((n,), dtype=x.dtype).at[dst].add(1.0)
    dinv = jnp.where(deg > 0, jax.lax.rsqrt(deg), 0.0)
    norm = dinv[src] * dinv[dst]
    # linear transform then gather-scale-scatter_add aggregation
    h = x @ W
    msg = jnp.take(h, src, axis=0) * norm[:, None]
    out = jnp.zeros((n, h.shape[1]), dtype=h.dtype).at[dst].add(msg)
    out = out + b
    return jax.nn.log_softmax(out, axis=1)

if __name__ == "__main__":
    import jax
    _d = setup_inputs()
    print(jax.jit(kernel)(*tuple(_d.values())))

</pallas_src>

<mosaic_0001>
#map = affine_map<(d0, d1) -> (0, 0)>
#map1 = affine_map<(d0, d1) -> (0)>
module attributes {stable_mosaic.version = 14 : i64} {
  func.func @deg_kernel(%arg0: i32, %arg1: i32, %arg2: memref<2560x128xi32, #tpu.memory_space<hbm>>, %arg3: memref<20480xf32, #tpu.memory_space<hbm>>, %arg4: memref<80x128xi32, #tpu.memory_space<vmem>>, %arg5: memref<128xf32, #tpu.memory_space<vmem>>, %arg6: memref<640xf32, #tpu.memory_space<vmem>>, %arg7: memref<10240xf32, #tpu.memory_space<vmem_shared>>) attributes {dimension_semantics = [#tpu.dimension_semantics<core_parallel>, #tpu.dimension_semantics<subcore_parallel>], iteration_bounds = array<i64: 2, 16>, scalar_prefetch = 0 : i64, scratch_operands = 4 : i64, tpu.core_type = #tpu.core_type<sc_vector_subcore>, window_params = [{transform_indices = #map}, {transform_indices = #map1}]} {
    %mul3A = arith.constant 16 : i32
    %mul3A_0 = arith.muli %arg0, %mul3A : i32
    %add3A = arith.addi %mul3A_0, %arg1 : i32
    %scan3A = arith.constant 0 : i32
    %scan3A_1 = arith.constant 0 : i32
    %scan3A_2 = arith.constant 40 : i32
    %scan3A_3 = arith.addi %scan3A_1, %scan3A_2 : i32
    %scan3A_4 = arith.constant 1 : i32
    scf.for %scan3A_30 = %scan3A_1 to %scan3A_3 step %scan3A_4  : i32 {
      %broadcast_in_dim3A = arith.constant 0.000000e+00 : f32
      %broadcast_in_dim3A_31 = vector.broadcast %broadcast_in_dim3A : f32 to vector<16xf32>
      %mul3A_32 = arith.constant 16 : i32
      %mul3A_33 = arith.muli %scan3A_30, %mul3A_32 : i32
      %swap3A = arith.index_cast %mul3A_33 : i32 to index
      %swap3A_34 = tpu.vector_load %arg6[%swap3A] {strides = array<i32>} : memref<640xf32, #tpu.memory_space<vmem>>, vector<16xf32>,
      %swap3A_35 = vector.shape_cast %swap3A_34 : vector<16xf32> to vector<16xf32>
      %swap3A_36 = vector.shape_cast %broadcast_in_dim3A_31 : vector<16xf32> to vector<16xf32>
      tpu.vector_store %arg6[%swap3A], %swap3A_36 {strides = array<i32>} : memref<640xf32, #tpu.memory_space<vmem>>, vector<16xf32>,
    }
    %scan3A_5 = arith.constant 40 : i32
    %scan3A_6 = arith.constant 0 : i32
    %scan3A_7 = arith.constant 0 : i32
    %scan3A_8 = arith.constant 8 : i32
    %scan3A_9 = arith.addi %scan3A_7, %scan3A_8 : i32
    %scan3A_10 = arith.constant 1 : i32
    scf.for %scan3A_30 = %scan3A_7 to %scan3A_9 step %scan3A_10  : i32 {
      %broadcast_in_dim3A = arith.constant 1.000000e+00 : f32
      %broadcast_in_dim3A_31 = vector.broadcast %broadcast_in_dim3A : f32 to vector<16xf32>
      %mul3A_32 = arith.constant 16 : i32
      %mul3A_33 = arith.muli %scan3A_30, %mul3A_32 : i32
      %swap3A = arith.index_cast %mul3A_33 : i32 to index
      %swap3A_34 = tpu.vector_load %arg5[%swap3A] {strides = array<i32>} : memref<128xf32, #tpu.memory_space<vmem>>, vector<16xf32>,
      %swap3A_35 = vector.shape_cast %swap3A_34 : vector<16xf32> to vector<16xf32>
      %swap3A_36 = vector.shape_cast %broadcast_in_dim3A_31 : vector<16xf32> to vector<16xf32>
      tpu.vector_store %arg5[%swap3A], %swap3A_36 {strides = array<i32>} : memref<128xf32, #tpu.memory_space<vmem>>, vector<16xf32>,
    }
    %scan3A_11 = arith.constant 8 : i32
    %mul3A_12 = arith.constant 640 : i32
    %mul3A_13 = arith.muli %arg1, %mul3A_12 : i32
    "tpu.region"() ({
      %run_scoped3A = tpu.sem_alloc : memref<!tpu.dma_semaphore, #tpu.memory_space<semaphore_mem>>
      %dma_start3A = tpu.memref_slice %arg7[%mul3A_13] : memref<10240xf32, #tpu.memory_space<vmem_shared>> -> memref<640xf32, #tpu.memory_space<vmem_shared>>
      %dma_start3A_30 = tpu.memref_slice %arg7[%mul3A_13] : memref<10240xf32, #tpu.memory_space<vmem_shared>> -> memref<640xf32, #tpu.memory_space<vmem_shared>>
      tpu.enqueue_dma source(%arg6 : memref<640xf32, #tpu.memory_space<vmem>>) target(%dma_start3A_30 : memref<640xf32, #tpu.memory_space<vmem_shared>>) target_semaphore(%run_scoped3A : memref<!tpu.dma_semaphore, #tpu.memory_space<semaphore_mem>>)
      %dma_wait3A = tpu.memref_slice %arg7[%mul3A_13] : memref<10240xf32, #tpu.memory_space<vmem_shared>> -> memref<640xf32, #tpu.memory_space<vmem_shared>>
      %dma_wait3A_31 = tpu.memref_slice %arg7[%mul3A_13] : memref<10240xf32, #tpu.memory_space<vmem_shared>> -> memref<640xf32, #tpu.memory_space<vmem_shared>>
      tpu.wait_dma2 semaphore(%run_scoped3A : memref<!tpu.dma_semaphore, #tpu.memory_space<semaphore_mem>>) src(%arg6 : memref<640xf32, #tpu.memory_space<vmem>>) dst(%dma_wait3A_31 : memref<640xf32, #tpu.memory_space<vmem_shared>>)
      tpu.yield
    }) : () -> ()
    %mul3A_14 = arith.constant 80 : i32
    %mul3A_15 = arith.muli %add3A, %mul3A_14 : i32
    "tpu.region"() ({
      %run_scoped3A = tpu.sem_alloc : memref<!tpu.dma_semaphore, #tpu.memory_space<semaphore_mem>>
      %dma_start3A = arith.constant 0 : i32
      %dma_start3A_30 = tpu.memref_slice %arg2[%mul3A_15, %dma_start3A] : memref<2560x128xi32, #tpu.memory_space<hbm>> -> memref<80x128xi32, #tpu.memory_space<hbm>>
      %dma_start3A_31 = arith.constant 0 : i32
      %dma_start3A_32 = tpu.memref_slice %arg2[%mul3A_15, %dma_start3A_31] : memref<2560x128xi32, #tpu.memory_space<hbm>> -> memref<80x128xi32, #tpu.memory_space<hbm>>
      tpu.enqueue_dma source(%dma_start3A_32 : memref<80x128xi32, #tpu.memory_space<hbm>>) target(%arg4 : memref<80x128xi32, #tpu.memory_space<vmem>>) target_semaphore(%run_scoped3A : memref<!tpu.dma_semaphore, #tpu.memory_space<semaphore_mem>>)
      %dma_wait3A = arith.constant 0 : i32
      %dma_wait3A_33 = tpu.memref_slice %arg2[%mul3A_15, %dma_wait3A] : memref<2560x128xi32, #tpu.memory_space<hbm>> -> memref<80x128xi32, #tpu.memory_space<hbm>>
      %dma_wait3A_34 = arith.constant 0 : i32
      %dma_wait3A_35 = tpu.memref_slice %arg2[%mul3A_15, %dma_wait3A_34] : memref<2560x128xi32, #tpu.memory_space<hbm>> -> memref<80x128xi32, #tpu.memory_space<hbm>>
      tpu.wait_dma2 semaphore(%run_scoped3A : memref<!tpu.dma_semaphore, #tpu.memory_space<semaphore_mem>>) src(%dma_wait3A_35 : memref<80x128xi32, #tpu.memory_space<hbm>>) dst(%arg4 : memref<80x128xi32, #tpu.memory_space<vmem>>)
      tpu.yield
    }) : () -> ()
    %barrier3A = arith.constant 0 : index
    tpu.barrier barrier_id(%barrier3A)
    %scan3A_16 = arith.constant 0 : i32
    %scan3A_17 = arith.constant 0 : i32
    %scan3A_18 = arith.constant 80 : i32
    %scan3A_19 = arith.addi %scan3A_17, %scan3A_18 : i32
    %scan3A_20 = arith.constant 1 : i32
    scf.for %scan3A_30 = %scan3A_17 to %scan3A_19 step %scan3A_20  : i32 {
      "tpu.region"() ({
        %run_scoped3A = tpu.sem_alloc : memref<!tpu.dma_semaphore, #tpu.memory_space<semaphore_mem>>
        %dma_start3A = arith.constant 0 : i32
        %dma_start3A_31 = tpu.memref_slice %arg4[%scan3A_30, %dma_start3A] : memref<80x128xi32, #tpu.memory_space<vmem>> -> memref<1x128xi32, #tpu.memory_space<vmem>>
        %dma_start3A_32 = tpu.memref_squeeze %dma_start3A_31 : memref<1x128xi32, #tpu.memory_space<vmem>> -> memref<128xi32, #tpu.memory_space<vmem>>
        %dma_start3A_33 = arith.constant 0 : i32
        %dma_start3A_34 = tpu.memref_slice %arg7[%dma_start3A_33] : memref<10240xf32, #tpu.memory_space<vmem_shared>> -> memref<10240xf32, #tpu.memory_space<vmem_shared>>
        tpu.enqueue_indirect_dma source(%arg5 : memref<128xf32, #tpu.memory_space<vmem>>) target(%dma_start3A_34 : memref<10240xf32, #tpu.memory_space<vmem_shared>>) offsets(%dma_start3A_32 : memref<128xi32, #tpu.memory_space<vmem>>) semaphore(%run_scoped3A : memref<!tpu.dma_semaphore, #tpu.memory_space<semaphore_mem>>) {add = true}
        %dma_wait3A = arith.constant 0 : i32
        %dma_wait3A_35 = tpu.memref_slice %arg4[%scan3A_30, %dma_wait3A] : memref<80x128xi32, #tpu.memory_space<vmem>> -> memref<1x128xi32, #tpu.memory_space<vmem>>
        %dma_wait3A_36 = tpu.memref_squeeze %dma_wait3A_35 : memref<1x128xi32, #tpu.memory_space<vmem>> -> memref<128xi32, #tpu.memory_space<vmem>>
        %dma_wait3A_37 = arith.constant 0 : i32
        %dma_wait3A_38 = tpu.memref_slice %arg7[%dma_wait3A_37] : memref<10240xf32, #tpu.memory_space<vmem_shared>> -> memref<10240xf32, #tpu.memory_space<vmem_shared>>
        tpu.wait_indirect_dma semaphore(%run_scoped3A : memref<!tpu.dma_semaphore, #tpu.memory_space<semaphore_mem>>) src(%arg5 : memref<128xf32, #tpu.memory_space<vmem>>) dst(%dma_wait3A_38 : memref<10240xf32, #tpu.memory_space<vmem_shared>>)
        tpu.yield
      }) : () -> ()
    }
    %scan3A_21 = arith.constant 80 : i32
    %barrier3A_22 = arith.constant 0 : index
    tpu.barrier barrier_id(%barrier3A_22)
    %mul3A_23 = arith.constant 640 : i32
    %mul3A_24 = arith.muli %arg1, %mul3A_23 : i32
    %mul3A_25 = arith.constant 10240 : i32
    %mul3A_26 = arith.muli %arg0, %mul3A_25 : i32
    %mul3A_27 = arith.constant 640 : i32
    %mul3A_28 = arith.muli %arg1, %mul3A_27 : i32
    %add3A_29 = arith.addi %mul3A_26, %mul3A_28 : i32
    "tpu.region"() ({
      %run_scoped3A = tpu.sem_alloc : memref<!tpu.dma_semaphore, #tpu.memory_space<semaphore_mem>>
      %dma_start3A = tpu.memref_slice %arg3[%add3A_29] : memref<20480xf32, #tpu.memory_space<hbm>> -> memref<640xf32, #tpu.memory_space<hbm>>
      %dma_start3A_30 = tpu.memref_slice %arg7[%mul3A_24] : memref<10240xf32, #tpu.memory_space<vmem_shared>> -> memref<640xf32, #tpu.memory_space<vmem_shared>>
      tpu.enqueue_dma source(%dma_start3A_30 : memref<640xf32, #tpu.memory_space<vmem_shared>>) target(%dma_start3A : memref<640xf32, #tpu.memory_space<hbm>>) target_semaphore(%run_scoped3A : memref<!tpu.dma_semaphore, #tpu.memory_space<semaphore_mem>>)
      %dma_wait3A = tpu.memref_slice %arg3[%add3A_29] : memref<20480xf32, #tpu.memory_space<hbm>> -> memref<640xf32, #tpu.memory_space<hbm>>
      %dma_wait3A_31 = tpu.memref_slice %arg7[%mul3A_24] : memref<10240xf32, #tpu.memory_space<vmem_shared>> -> memref<640xf32, #tpu.memory_space<vmem_shared>>
      tpu.wait_dma2 semaphore(%run_scoped3A : memref<!tpu.dma_semaphore, #tpu.memory_space<semaphore_mem>>) src(%dma_wait3A_31 : memref<640xf32, #tpu.memory_space<vmem_shared>>) dst(%dma_wait3A : memref<640xf32, #tpu.memory_space<hbm>>)
      tpu.yield
    }) : () -> ()
    return
  }
}

#map = affine_map<(d0, d1) -> (0, 0)>
#map1 = affine_map<(d0, d1) -> (0, 0, 0)>
module attributes {stable_mosaic.version = 14 : i64} {
  func.func @agg_kernel(%arg0: i32, %arg1: i32, %arg2: memref<10240x128xf32, #tpu.memory_space<hbm>>, %arg3: memref<2560x128xi32, #tpu.memory_space<hbm>>, %arg4: memref<2560x128xi32, #tpu.memory_space<hbm>>, %arg5: memref<2x10240x128xf32, #tpu.memory_space<hbm>>, %arg6: memref<40x128xi32, #tpu.memory_space<vmem>>, %arg7: memref<40x128xi32, #tpu.memory_space<vmem>>, %arg8: memref<128x128xf32, #tpu.memory_space<vmem>>, %arg9: memref<128x128xf32, #tpu.memory_space<vmem>>, %arg10: memref<10240x128xf32, #tpu.memory_space<vmem_shared>>, %arg11: memref<!tpu.dma_semaphore, #tpu.memory_space<semaphore_mem>>, %arg12: memref<!tpu.dma_semaphore, #tpu.memory_space<semaphore_mem>>) attributes {dimension_semantics = [#tpu.dimension_semantics<core_parallel>, #tpu.dimension_semantics<subcore_parallel>], iteration_bounds = array<i64: 2, 16>, scalar_prefetch = 0 : i64, scratch_operands = 7 : i64, tpu.core_type = #tpu.core_type<sc_vector_subcore>, window_params = [{transform_indices = #map}, {transform_indices = #map}, {transform_indices = #map}, {transform_indices = #map1}]} {
    %mul3A = arith.constant 16 : i32
    %mul3A_0 = arith.muli %arg0, %mul3A : i32
    %add3A = arith.addi %mul3A_0, %arg1 : i32
    %scan3A = arith.constant 0 : i32
    %scan3A_1 = arith.constant 0 : i32
    %scan3A_2 = arith.constant 1024 : i32
    %scan3A_3 = arith.addi %scan3A_1, %scan3A_2 : i32
    %scan3A_4 = arith.constant 1 : i32
    scf.for %scan3A_68 = %scan3A_1 to %scan3A_3 step %scan3A_4  : i32 {
      %jit3A = arith.constant 8 : i32
      %div3A = arith.divsi %scan3A_68, %jit3A : i32
      %sign3A = arith.constant 0 : i32
      %sign3A_69 = arith.cmpi sgt, %scan3A_68, %sign3A : i32
      %sign3A_70 = arith.extui %sign3A_69 : i1 to i32
      %sign3A_71 = arith.constant 0 : i32
      %sign3A_72 = arith.cmpi slt, %scan3A_68, %sign3A_71 : i32
      %sign3A_73 = arith.extui %sign3A_72 : i1 to i32
      %sign3A_74 = arith.subi %sign3A_70, %sign3A_73 : i32
      %sign3A_75 = arith.constant 0 : i32
      %sign3A_76 = arith.cmpi sgt, %jit3A, %sign3A_75 : i32
      %sign3A_77 = arith.extui %sign3A_76 : i1 to i32
      %sign3A_78 = arith.constant 0 : i32
      %sign3A_79 = arith.cmpi slt, %jit3A, %sign3A_78 : i32
      %sign3A_80 = arith.extui %sign3A_79 : i1 to i32
      %sign3A_81 = arith.subi %sign3A_77, %sign3A_80 : i32
      %ne3A = arith.cmpi ne, %sign3A_74, %sign3A_81 : i32
      %rem3A = arith.remsi %scan3A_68, %jit3A : i32
      %ne3A_82 = arith.constant 0 : i32
      %ne3A_83 = arith.cmpi ne, %rem3A, %ne3A_82 : i32
      %and3A = arith.andi %ne3A, %ne3A_83 : i1
      %sub3A = arith.constant 1 : i32
      %sub3A_84 = arith.subi %div3A, %sub3A : i32
      %select_n3A = arith.select %and3A, %sub3A_84, %div3A : i32
      %jit3A_85 = arith.constant 8 : i32
      %eq3A = arith.constant 0 : i32
      %eq3A_86 = arith.cmpi eq, %jit3A_85, %eq3A : i32
      %jit3A_87 = arith.constant 1 : i32
      %select_n3A_88 = arith.select %eq3A_86, %jit3A_87, %jit3A_85 : i32
      %rem3A_89 = arith.remsi %scan3A_68, %select_n3A_88 : i32
      %ne3A_90 = arith.constant 0 : i32
      %ne3A_91 = arith.cmpi ne, %rem3A_89, %ne3A_90 : i32
      %lt3A = arith.constant 0 : i32
      %lt3A_92 = arith.cmpi slt, %rem3A_89, %lt3A : i32
      %lt3A_93 = arith.constant 0 : i32
      %lt3A_94 = arith.cmpi slt, %select_n3A_88, %lt3A_93 : i32
      %ne3A_95 = arith.xori %lt3A_92, %lt3A_94 : i1
      %and3A_96 = arith.andi %ne3A_95, %ne3A_91 : i1
      %add3A_97 = arith.addi %rem3A_89, %select_n3A_88 : i32
      %select_n3A_98 = arith.select %and3A_96, %add3A_97, %rem3A_89 : i32
      %broadcast_in_dim3A = arith.constant 0.000000e+00 : f32
      %broadcast_in_dim3A_99 = vector.broadcast %broadcast_in_dim3A : f32 to vector<16xf32>
      %mul3A_100 = arith.constant 16 : i32
      %mul3A_101 = arith.muli %select_n3A_98, %mul3A_100 : i32
      %swap3A = arith.index_cast %select_n3A : i32 to index
      %swap3A_102 = arith.index_cast %mul3A_101 : i32 to index
      %swap3A_103 = tpu.vector_load %arg8[%swap3A, %swap3A_102] {strides = array<i32>} : memref<128x128xf32, #tpu.memory_space<vmem>>, vector<1x16xf32>,
      %swap3A_104 = vector.shape_cast %swap3A_103 : vector<1x16xf32> to vector<16xf32>
      %swap3A_105 = vector.shape_cast %broadcast_in_dim3A_99 : vector<16xf32> to vector<1x16xf32>
      tpu.vector_store %arg8[%swap3A, %swap3A_102], %swap3A_105 {strides = array<i32>} : memref<128x128xf32, #tpu.memory_space<vmem>>, vector<1x16xf32>,
    }
    %scan3A_5 = arith.constant 1024 : i32
    %scan3A_6 = arith.constant 0 : i32
    %scan3A_7 = arith.constant 0 : i32
    %scan3A_8 = arith.constant 5 : i32
    %scan3A_9 = arith.addi %scan3A_7, %scan3A_8 : i32
    %scan3A_10 = arith.constant 1 : i32
    scf.for %scan3A_68 = %scan3A_7 to %scan3A_9 step %scan3A_10  : i32 {
      %mul3A_69 = arith.constant 640 : i32
      %mul3A_70 = arith.muli %arg1, %mul3A_69 : i32
      %mul3A_71 = arith.constant 128 : i32
      %mul3A_72 = arith.muli %scan3A_68, %mul3A_71 : i32
      %add3A_73 = arith.addi %mul3A_70, %mul3A_72 : i32
      "tpu.region"() ({
        %run_scoped3A = tpu.sem_alloc : memref<!tpu.dma_semaphore, #tpu.memory_space<semaphore_mem>>
        %dma_start3A_74 = arith.constant 0 : i32
        %dma_start3A_75 = tpu.memref_slice %arg10[%add3A_73, %dma_start3A_74] : memref<10240x128xf32, #tpu.memory_space<vmem_shared>> -> memref<128x128xf32, #tpu.memory_space<vmem_shared>>
        %dma_start3A_76 = arith.constant 0 : i32
        %dma_start3A_77 = tpu.memref_slice %arg10[%add3A_73, %dma_start3A_76] : memref<10240x128xf32, #tpu.memory_space<vmem_shared>> -> memref<128x128xf32, #tpu.memory_space<vmem_shared>>
        tpu.enqueue_dma source(%arg8 : memref<128x128xf32, #tpu.memory_space<vmem>>) target(%dma_start3A_77 : memref<128x128xf32, #tpu.memory_space<vmem_shared>>) target_semaphore(%run_scoped3A : memref<!tpu.dma_semaphore, #tpu.memory_space<semaphore_mem>>)
        %dma_wait3A = arith.constant 0 : i32
        %dma_wait3A_78 = tpu.memref_slice %arg10[%add3A_73, %dma_wait3A] : memref<10240x128xf32, #tpu.memory_space<vmem_shared>> -> memref<128x128xf32, #tpu.memory_space<vmem_shared>>
        %dma_wait3A_79 = arith.constant 0 : i32
        %dma_wait3A_80 = tpu.memref_slice %arg10[%add3A_73, %dma_wait3A_79] : memref<10240x128xf32, #tpu.memory_space<vmem_shared>> -> memref<128x128xf32, #tpu.memory_space<vmem_shared>>
        tpu.wait_dma2 semaphore(%run_scoped3A : memref<!tpu.dma_semaphore, #tpu.memory_space<semaphore_mem>>) src(%arg8 : memref<128x128xf32, #tpu.memory_space<vmem>>) dst(%dma_wait3A_80 : memref<128x128xf32, #tpu.memory_space<vmem_shared>>)
        tpu.yield
      }) : () -> ()
    }
    %scan3A_11 = arith.constant 5 : i32
    %barrier3A = arith.constant 0 : index
    tpu.barrier barrier_id(%barrier3A)
    %mul3A_12 = arith.constant 2 : i32
    %mul3A_13 = arith.muli %add3A, %mul3A_12 : i32
    %add3A_14 = arith.constant 0 : i32
    %add3A_15 = arith.addi %mul3A_13, %add3A_14 : i32
    %mul3A_16 = arith.constant 40 : i32
    %mul3A_17 = arith.muli %add3A_15, %mul3A_16 : i32
    "tpu.region"() ({
      %run_scoped3A = tpu.sem_alloc : memref<!tpu.dma_semaphore, #tpu.memory_space<semaphore_mem>>
      %dma_start3A_68 = arith.constant 0 : i32
      %dma_start3A_69 = tpu.memref_slice %arg3[%mul3A_17, %dma_start3A_68] : memref<2560x128xi32, #tpu.memory_space<hbm>> -> memref<40x128xi32, #tpu.memory_space<hbm>>
      %dma_start3A_70 = arith.constant 0 : i32
      %dma_start3A_71 = tpu.memref_slice %arg3[%mul3A_17, %dma_start3A_70] : memref<2560x128xi32, #tpu.memory_space<hbm>> -> memref<40x128xi32, #tpu.memory_space<hbm>>
      tpu.enqueue_dma source(%dma_start3A_71 : memref<40x128xi32, #tpu.memory_space<hbm>>) target(%arg6 : memref<40x128xi32, #tpu.memory_space<vmem>>) target_semaphore(%run_scoped3A : memref<!tpu.dma_semaphore, #tpu.memory_space<semaphore_mem>>)
      %dma_wait3A = arith.constant 0 : i32
      %dma_wait3A_72 = tpu.memref_slice %arg3[%mul3A_17, %dma_wait3A] : memref<2560x128xi32, #tpu.memory_space<hbm>> -> memref<40x128xi32, #tpu.memory_space<hbm>>
      %dma_wait3A_73 = arith.constant 0 : i32
      %dma_wait3A_74 = tpu.memref_slice %arg3[%mul3A_17, %dma_wait3A_73] : memref<2560x128xi32, #tpu.memory_space<hbm>> -> memref<40x128xi32, #tpu.memory_space<hbm>>
      tpu.wait_dma2 semaphore(%run_scoped3A : memref<!tpu.dma_semaphore, #tpu.memory_space<semaphore_mem>>) src(%dma_wait3A_74 : memref<40x128xi32, #tpu.memory_space<hbm>>) dst(%arg6 : memref<40x128xi32, #tpu.memory_space<vmem>>)
      tpu.yield
    }) : () -> ()
    "tpu.region"() ({
      %run_scoped3A = tpu.sem_alloc : memref<!tpu.dma_semaphore, #tpu.memory_space<semaphore_mem>>
      %dma_start3A_68 = arith.constant 0 : i32
      %dma_start3A_69 = tpu.memref_slice %arg4[%mul3A_17, %dma_start3A_68] : memref<2560x128xi32, #tpu.memory_space<hbm>> -> memref<40x128xi32, #tpu.memory_space<hbm>>
      %dma_start3A_70 = arith.constant 0 : i32
      %dma_start3A_71 = tpu.memref_slice %arg4[%mul3A_17, %dma_start3A_70] : memref<2560x128xi32, #tpu.memory_space<hbm>> -> memref<40x128xi32, #tpu.memory_space<hbm>>
      tpu.enqueue_dma source(%dma_start3A_71 : memref<40x128xi32, #tpu.memory_space<hbm>>) target(%arg7 : memref<40x128xi32, #tpu.memory_space<vmem>>) target_semaphore(%run_scoped3A : memref<!tpu.dma_semaphore, #tpu.memory_space<semaphore_mem>>)
      %dma_wait3A = arith.constant 0 : i32
      %dma_wait3A_72 = tpu.memref_slice %arg4[%mul3A_17, %dma_wait3A] : memref<2560x128xi32, #tpu.memory_space<hbm>> -> memref<40x128xi32, #tpu.memory_space<hbm>>
      %dma_wait3A_73 = arith.constant 0 : i32
      %dma_wait3A_74 = tpu.memref_slice %arg4[%mul3A_17, %dma_wait3A_73] : memref<2560x128xi32, #tpu.memory_space<hbm>> -> memref<40x128xi32, #tpu.memory_space<hbm>>
      tpu.wait_dma2 semaphore(%run_scoped3A : memref<!tpu.dma_semaphore, #tpu.memory_space<semaphore_mem>>) src(%dma_wait3A_74 : memref<40x128xi32, #tpu.memory_space<hbm>>) dst(%arg7 : memref<40x128xi32, #tpu.memory_space<vmem>>)
      tpu.yield
    }) : () -> ()
    %dma_start3A = arith.constant 0 : i32
    %dma_start3A_18 = arith.constant 0 : i32
    %dma_start3A_19 = tpu.memref_slice %arg6[%dma_start3A, %dma_start3A_18] : memref<40x128xi32, #tpu.memory_space<vmem>> -> memref<1x128xi32, #tpu.memory_space<vmem>>
    %dma_start3A_20 = tpu.memref_squeeze %dma_start3A_19 : memref<1x128xi32, #tpu.memory_space<vmem>> -> memref<128xi32, #tpu.memory_space<vmem>>
    %dma_start3A_21 = arith.constant 0 : i32
    %dma_start3A_22 = arith.constant 0 : i32
    %dma_start3A_23 = tpu.memref_slice %arg2[%dma_start3A_21, %dma_start3A_22] : memref<10240x128xf32, #tpu.memory_space<hbm>> -> memref<10240x128xf32, #tpu.memory_space<hbm>>
    tpu.enqueue_indirect_dma source(%dma_start3A_23 : memref<10240x128xf32, #tpu.memory_space<hbm>>) target(%arg8 : memref<128x128xf32, #tpu.memory_space<vmem>>) offsets(%dma_start3A_20 : memref<128xi32, #tpu.memory_space<vmem>>) semaphore(%arg11 : memref<!tpu.dma_semaphore, #tpu.memory_space<semaphore_mem>>)
    %dma_start3A_24 = arith.constant 1 : i32
    %dma_start3A_25 = arith.constant 0 : i32
    %dma_start3A_26 = tpu.memref_slice %arg6[%dma_start3A_24, %dma_start3A_25] : memref<40x128xi32, #tpu.memory_space<vmem>> -> memref<1x128xi32, #tpu.memory_space<vmem>>
    %dma_start3A_27 = tpu.memref_squeeze %dma_start3A_26 : memref<1x128xi32, #tpu.memory_space<vmem>> -> memref<128xi32, #tpu.memory_space<vmem>>
    %dma_start3A_28 = arith.constant 0 : i32
    %dma_start3A_29 = arith.constant 0 : i32
    %dma_start3A_30 = tpu.memref_slice %arg2[%dma_start3A_28, %dma_start3A_29] : memref<10240x128xf32, #tpu.memory_space<hbm>> -> memref<10240x128xf32, #tpu.memory_space<hbm>>
    tpu.enqueue_indirect_dma source(%dma_start3A_30 : memref<10240x128xf32, #tpu.memory_space<hbm>>) target(%arg9 : memref<128x128xf32, #tpu.memory_space<vmem>>) offsets(%dma_start3A_27 : memref<128xi32, #tpu.memory_space<vmem>>) semaphore(%arg12 : memref<!tpu.dma_semaphore, #tpu.memory_space<semaphore_mem>>)
    %scan3A_31 = arith.constant 0 : i32
    %scan3A_32 = arith.constant 0 : i32
    %scan3A_33 = arith.constant 20 : i32
    %scan3A_34 = arith.addi %scan3A_32, %scan3A_33 : i32
    %scan3A_35 = arith.constant 1 : i32
    scf.for %scan3A_68 = %scan3A_32 to %scan3A_34 step %scan3A_35  : i32 {
      %mul3A_69 = arith.constant 2 : i32
      %mul3A_70 = arith.muli %scan3A_68, %mul3A_69 : i32
      %add3A_71 = arith.constant 0 : i32
      %add3A_72 = arith.addi %mul3A_70, %add3A_71 : i32
      %dma_wait3A = arith.constant 0 : i32
      %dma_wait3A_73 = tpu.memref_slice %arg6[%add3A_72, %dma_wait3A] : memref<40x128xi32, #tpu.memory_space<vmem>> -> memref<1x128xi32, #tpu.memory_space<vmem>>
      %dma_wait3A_74 = tpu.memref_squeeze %dma_wait3A_73 : memref<1x128xi32, #tpu.memory_space<vmem>> -> memref<128xi32, #tpu.memory_space<vmem>>
      %dma_wait3A_75 = arith.constant 0 : i32
      %dma_wait3A_76 = arith.constant 0 : i32
      %dma_wait3A_77 = tpu.memref_slice %arg2[%dma_wait3A_75, %dma_wait3A_76] : memref<10240x128xf32, #tpu.memory_space<hbm>> -> memref<10240x128xf32, #tpu.memory_space<hbm>>
      tpu.wait_indirect_dma semaphore(%arg11 : memref<!tpu.dma_semaphore, #tpu.memory_space<semaphore_mem>>) src(%dma_wait3A_77 : memref<10240x128xf32, #tpu.memory_space<hbm>>) dst(%arg8 : memref<128x128xf32, #tpu.memory_space<vmem>>)
      "tpu.region"() ({
        %run_scoped3A = tpu.sem_alloc : memref<!tpu.dma_semaphore, #tpu.memory_space<semaphore_mem>>
        %dma_start3A_99 = arith.constant 0 : i32
        %dma_start3A_100 = tpu.memref_slice %arg7[%add3A_72, %dma_start3A_99] : memref<40x128xi32, #tpu.memory_space<vmem>> -> memref<1x128xi32, #tpu.memory_space<vmem>>
        %dma_start3A_101 = tpu.memref_squeeze %dma_start3A_100 : memref<1x128xi32, #tpu.memory_space<vmem>> -> memref<128xi32, #tpu.memory_space<vmem>>
        %dma_start3A_102 = arith.constant 0 : i32
        %dma_start3A_103 = arith.constant 0 : i32
        %dma_start3A_104 = tpu.memref_slice %arg10[%dma_start3A_102, %dma_start3A_103] : memref<10240x128xf32, #tpu.memory_space<vmem_shared>> -> memref<10240x128xf32, #tpu.memory_space<vmem_shared>>
        tpu.enqueue_indirect_dma source(%arg8 : memref<128x128xf32, #tpu.memory_space<vmem>>) target(%dma_start3A_104 : memref<10240x128xf32, #tpu.memory_space<vmem_shared>>) offsets(%dma_start3A_101 : memref<128xi32, #tpu.memory_space<vmem>>) semaphore(%run_scoped3A : memref<!tpu.dma_semaphore, #tpu.memory_space<semaphore_mem>>) {add = true}
        %dma_wait3A_105 = arith.constant 0 : i32
        %dma_wait3A_106 = tpu.memref_slice %arg7[%add3A_72, %dma_wait3A_105] : memref<40x128xi32, #tpu.memory_space<vmem>> -> memref<1x128xi32, #tpu.memory_space<vmem>>
        %dma_wait3A_107 = tpu.memref_squeeze %dma_wait3A_106 : memref<1x128xi32, #tpu.memory_space<vmem>> -> memref<128xi32, #tpu.memory_space<vmem>>
        %dma_wait3A_108 = arith.constant 0 : i32
        %dma_wait3A_109 = arith.constant 0 : i32
        %dma_wait3A_110 = tpu.memref_slice %arg10[%dma_wait3A_108, %dma_wait3A_109] : memref<10240x128xf32, #tpu.memory_space<vmem_shared>> -> memref<10240x128xf32, #tpu.memory_space<vmem_shared>>
        tpu.wait_indirect_dma semaphore(%run_scoped3A : memref<!tpu.dma_semaphore, #tpu.memory_space<semaphore_mem>>) src(%arg8 : memref<128x128xf32, #tpu.memory_space<vmem>>) dst(%dma_wait3A_110 : memref<10240x128xf32, #tpu.memory_space<vmem_shared>>)
        tpu.yield
      }) : () -> ()
      %add3A_78 = arith.constant 2 : i32
      %add3A_79 = arith.addi %add3A_72, %add3A_78 : i32
      %lt3A = arith.constant 40 : i32
      %lt3A_80 = arith.cmpi slt, %add3A_79, %lt3A : i32
      %convert_element_type3A = arith.extui %lt3A_80 : i1 to i32
      %cond3A = arith.constant 0 : i32
      %cond3A_81 = arith.cmpi ne, %convert_element_type3A, %cond3A : i32
      scf.if %cond3A_81 {
        %dma_start3A_99 = arith.constant 0 : i32
        %dma_start3A_100 = tpu.memref_slice %arg6[%add3A_79, %dma_start3A_99] : memref<40x128xi32, #tpu.memory_space<vmem>> -> memref<1x128xi32, #tpu.memory_space<vmem>>
        %dma_start3A_101 = tpu.memref_squeeze %dma_start3A_100 : memref<1x128xi32, #tpu.memory_space<vmem>> -> memref<128xi32, #tpu.memory_space<vmem>>
        %dma_start3A_102 = arith.constant 0 : i32
        %dma_start3A_103 = arith.constant 0 : i32
        %dma_start3A_104 = tpu.memref_slice %arg2[%dma_start3A_102, %dma_start3A_103] : memref<10240x128xf32, #tpu.memory_space<hbm>> -> memref<10240x128xf32, #tpu.memory_space<hbm>>
        tpu.enqueue_indirect_dma source(%dma_start3A_104 : memref<10240x128xf32, #tpu.memory_space<hbm>>) target(%arg8 : memref<128x128xf32, #tpu.memory_space<vmem>>) offsets(%dma_start3A_101 : memref<128xi32, #tpu.memory_space<vmem>>) semaphore(%arg11 : memref<!tpu.dma_semaphore, #tpu.memory_space<semaphore_mem>>)
      } else {
      }
      %mul3A_82 = arith.constant 2 : i32
      %mul3A_83 = arith.muli %scan3A_68, %mul3A_82 : i32
      %add3A_84 = arith.constant 1 : i32
      %add3A_85 = arith.addi %mul3A_83, %add3A_84 : i32
      %dma_wait3A_86 = arith.constant 0 : i32
      %dma_wait3A_87 = tpu.memref_slice %arg6[%add3A_85, %dma_wait3A_86] : memref<40x128xi32, #tpu.memory_space<vmem>> -> memref<1x128xi32, #tpu.memory_space<vmem>>
      %dma_wait3A_88 = tpu.memref_squeeze %dma_wait3A_87 : memref<1x128xi32, #tpu.memory_space<vmem>> -> memref<128xi32, #tpu.memory_space<vmem>>
      %dma_wait3A_89 = arith.constant 0 : i32
      %dma_wait3A_90 = arith.constant 0 : i32
      %dma_wait3A_91 = tpu.memref_slice %arg2[%dma_wait3A_89, %dma_wait3A_90] : memref<10240x128xf32, #tpu.memory_space<hbm>> -> memref<10240x128xf32, #tpu.memory_space<hbm>>
      tpu.wait_indirect_dma semaphore(%arg12 : memref<!tpu.dma_semaphore, #tpu.memory_space<semaphore_mem>>) src(%dma_wait3A_91 : memref<10240x128xf32, #tpu.memory_space<hbm>>) dst(%arg9 : memref<128x128xf32, #tpu.memory_space<vmem>>)
      "tpu.region"() ({
        %run_scoped3A = tpu.sem_alloc : memref<!tpu.dma_semaphore, #tpu.memory_space<semaphore_mem>>
        %dma_start3A_99 = arith.constant 0 : i32
        %dma_start3A_100 = tpu.memref_slice %arg7[%add3A_85, %dma_start3A_99] : memref<40x128xi32, #tpu.memory_space<vmem>> -> memref<1x128xi32, #tpu.memory_space<vmem>>
        %dma_start3A_101 = tpu.memref_squeeze %dma_start3A_100 : memref<1x128xi32, #tpu.memory_space<vmem>> -> memref<128xi32, #tpu.memory_space<vmem>>
        %dma_start3A_102 = arith.constant 0 : i32
        %dma_start3A_103 = arith.constant 0 : i32
        %dma_start3A_104 = tpu.memref_slice %arg10[%dma_start3A_102, %dma_start3A_103] : memref<10240x128xf32, #tpu.memory_space<vmem_shared>> -> memref<10240x128xf32, #tpu.memory_space<vmem_shared>>
        tpu.enqueue_indirect_dma source(%arg9 : memref<128x128xf32, #tpu.memory_space<vmem>>) target(%dma_start3A_104 : memref<10240x128xf32, #tpu.memory_space<vmem_shared>>) offsets(%dma_start3A_101 : memref<128xi32, #tpu.memory_space<vmem>>) semaphore(%run_scoped3A : memref<!tpu.dma_semaphore, #tpu.memory_space<semaphore_mem>>) {add = true}
        %dma_wait3A_105 = arith.constant 0 : i32
        %dma_wait3A_106 = tpu.memref_slice %arg7[%add3A_85, %dma_wait3A_105] : memref<40x128xi32, #tpu.memory_space<vmem>> -> memref<1x128xi32, #tpu.memory_space<vmem>>
        %dma_wait3A_107 = tpu.memref_squeeze %dma_wait3A_106 : memref<1x128xi32, #tpu.memory_space<vmem>> -> memref<128xi32, #tpu.memory_space<vmem>>
        %dma_wait3A_108 = arith.constant 0 : i32
        %dma_wait3A_109 = arith.constant 0 : i32
        %dma_wait3A_110 = tpu.memref_slice %arg10[%dma_wait3A_108, %dma_wait3A_109] : memref<10240x128xf32, #tpu.memory_space<vmem_shared>> -> memref<10240x128xf32, #tpu.memory_space<vmem_shared>>
        tpu.wait_indirect_dma semaphore(%run_scoped3A : memref<!tpu.dma_semaphore, #tpu.memory_space<semaphore_mem>>) src(%arg9 : memref<128x128xf32, #tpu.memory_space<vmem>>) dst(%dma_wait3A_110 : memref<10240x128xf32, #tpu.memory_space<vmem_shared>>)
        tpu.yield
      }) : () -> ()
      %add3A_92 = arith.constant 2 : i32
      %add3A_93 = arith.addi %add3A_85, %add3A_92 : i32
      %lt3A_94 = arith.constant 40 : i32
      %lt3A_95 = arith.cmpi slt, %add3A_93, %lt3A_94 : i32
      %convert_element_type3A_96 = arith.extui %lt3A_95 : i1 to i32
      %cond3A_97 = arith.constant 0 : i32
      %cond3A_98 = arith.cmpi ne, %convert_element_type3A_96, %cond3A_97 : i32
      scf.if %cond3A_98 {
        %dma_start3A_99 = arith.constant 0 : i32
        %dma_start3A_100 = tpu.memref_slice %arg6[%add3A_93, %dma_start3A_99] : memref<40x128xi32, #tpu.memory_space<vmem>> -> memref<1x128xi32, #tpu.memory_space<vmem>>
        %dma_start3A_101 = tpu.memref_squeeze %dma_start3A_100 : memref<1x128xi32, #tpu.memory_space<vmem>> -> memref<128xi32, #tpu.memory_space<vmem>>
        %dma_start3A_102 = arith.constant 0 : i32
        %dma_start3A_103 = arith.constant 0 : i32
        %dma_start3A_104 = tpu.memref_slice %arg2[%dma_start3A_102, %dma_start3A_103] : memref<10240x128xf32, #tpu.memory_space<hbm>> -> memref<10240x128xf32, #tpu.memory_space<hbm>>
        tpu.enqueue_indirect_dma source(%dma_start3A_104 : memref<10240x128xf32, #tpu.memory_space<hbm>>) target(%arg9 : memref<128x128xf32, #tpu.memory_space<vmem>>) offsets(%dma_start3A_101 : memref<128xi32, #tpu.memory_space<vmem>>) semaphore(%arg12 : memref<!tpu.dma_semaphore, #tpu.memory_space<semaphore_mem>>)
      } else {
      }
    }
    %scan3A_36 = arith.constant 20 : i32
    %mul3A_37 = arith.constant 2 : i32
    %mul3A_38 = arith.muli %add3A, %mul3A_37 : i32
    %add3A_39 = arith.constant 1 : i32
    %add3A_40 = arith.addi %mul3A_38, %add3A_39 : i32
    %mul3A_41 = arith.constant 40 : i32
    %mul3A_42 = arith.muli %add3A_40, %mul3A_41 : i32
    "tpu.region"() ({
      %run_scoped3A = tpu.sem_alloc : memref<!tpu.dma_semaphore, #tpu.memory_space<semaphore_mem>>
      %dma_start3A_68 = arith.constant 0 : i32
      %dma_start3A_69 = tpu.memref_slice %arg3[%mul3A_42, %dma_start3A_68] : memref<2560x128xi32, #tpu.memory_space<hbm>> -> memref<40x128xi32, #tpu.memory_space<hbm>>
      %dma_start3A_70 = arith.constant 0 : i32
      %dma_start3A_71 = tpu.memref_slice %arg3[%mul3A_42, %dma_start3A_70] : memref<2560x128xi32, #tpu.memory_space<hbm>> -> memref<40x128xi32, #tpu.memory_space<hbm>>
      tpu.enqueue_dma source(%dma_start3A_71 : memref<40x128xi32, #tpu.memory_space<hbm>>) target(%arg6 : memref<40x128xi32, #tpu.memory_space<vmem>>) target_semaphore(%run_scoped3A : memref<!tpu.dma_semaphore, #tpu.memory_space<semaphore_mem>>)
      %dma_wait3A = arith.constant 0 : i32
      %dma_wait3A_72 = tpu.memref_slice %arg3[%mul3A_42, %dma_wait3A] : memref<2560x128xi32, #tpu.memory_space<hbm>> -> memref<40x128xi32, #tpu.memory_space<hbm>>
      %dma_wait3A_73 = arith.constant 0 : i32
      %dma_wait3A_74 = tpu.memref_slice %arg3[%mul3A_42, %dma_wait3A_73] : memref<2560x128xi32, #tpu.memory_space<hbm>> -> memref<40x128xi32, #tpu.memory_space<hbm>>
      tpu.wait_dma2 semaphore(%run_scoped3A : memref<!tpu.dma_semaphore, #tpu.memory_space<semaphore_mem>>) src(%dma_wait3A_74 : memref<40x128xi32, #tpu.memory_space<hbm>>) dst(%arg6 : memref<40x128xi32, #tpu.memory_space<vmem>>)
      tpu.yield
    }) : () -> ()
    "tpu.region"() ({
      %run_scoped3A = tpu.sem_alloc : memref<!tpu.dma_semaphore, #tpu.memory_space<semaphore_mem>>
      %dma_start3A_68 = arith.constant 0 : i32
      %dma_start3A_69 = tpu.memref_slice %arg4[%mul3A_42, %dma_start3A_68] : memref<2560x128xi32, #tpu.memory_space<hbm>> -> memref<40x128xi32, #tpu.memory_space<hbm>>
      %dma_start3A_70 = arith.constant 0 : i32
      %dma_start3A_71 = tpu.memref_slice %arg4[%mul3A_42, %dma_start3A_70] : memref<2560x128xi32, #tpu.memory_space<hbm>> -> memref<40x128xi32, #tpu.memory_space<hbm>>
      tpu.enqueue_dma source(%dma_start3A_71 : memref<40x128xi32, #tpu.memory_space<hbm>>) target(%arg7 : memref<40x128xi32, #tpu.memory_space<vmem>>) target_semaphore(%run_scoped3A : memref<!tpu.dma_semaphore, #tpu.memory_space<semaphore_mem>>)
      %dma_wait3A = arith.constant 0 : i32
      %dma_wait3A_72 = tpu.memref_slice %arg4[%mul3A_42, %dma_wait3A] : memref<2560x128xi32, #tpu.memory_space<hbm>> -> memref<40x128xi32, #tpu.memory_space<hbm>>
      %dma_wait3A_73 = arith.constant 0 : i32
      %dma_wait3A_74 = tpu.memref_slice %arg4[%mul3A_42, %dma_wait3A_73] : memref<2560x128xi32, #tpu.memory_space<hbm>> -> memref<40x128xi32, #tpu.memory_space<hbm>>
      tpu.wait_dma2 semaphore(%run_scoped3A : memref<!tpu.dma_semaphore, #tpu.memory_space<semaphore_mem>>) src(%dma_wait3A_74 : memref<40x128xi32, #tpu.memory_space<hbm>>) dst(%arg7 : memref<40x128xi32, #tpu.memory_space<vmem>>)
      tpu.yield
    }) : () -> ()
    %dma_start3A_43 = arith.constant 0 : i32
    %dma_start3A_44 = arith.constant 0 : i32
    %dma_start3A_45 = tpu.memref_slice %arg6[%dma_start3A_43, %dma_start3A_44] : memref<40x128xi32, #tpu.memory_space<vmem>> -> memref<1x128xi32, #tpu.memory_space<vmem>>
    %dma_start3A_46 = tpu.memref_squeeze %dma_start3A_45 : memref<1x128xi32, #tpu.memory_space<vmem>> -> memref<128xi32, #tpu.memory_space<vmem>>
    %dma_start3A_47 = arith.constant 0 : i32
    %dma_start3A_48 = arith.constant 0 : i32
    %dma_start3A_49 = tpu.memref_slice %arg2[%dma_start3A_47, %dma_start3A_48] : memref<10240x128xf32, #tpu.memory_space<hbm>> -> memref<10240x128xf32, #tpu.memory_space<hbm>>
    tpu.enqueue_indirect_dma source(%dma_start3A_49 : memref<10240x128xf32, #tpu.memory_space<hbm>>) target(%arg8 : memref<128x128xf32, #tpu.memory_space<vmem>>) offsets(%dma_start3A_46 : memref<128xi32, #tpu.memory_space<vmem>>) semaphore(%arg11 : memref<!tpu.dma_semaphore, #tpu.memory_space<semaphore_mem>>)
    %dma_start3A_50 = arith.constant 1 : i32
    %dma_start3A_51 = arith.constant 0 : i32
    %dma_start3A_52 = tpu.memref_slice %arg6[%dma_start3A_50, %dma_start3A_51] : memref<40x128xi32, #tpu.memory_space<vmem>> -> memref<1x128xi32, #tpu.memory_space<vmem>>
    %dma_start3A_53 = tpu.memref_squeeze %dma_start3A_52 : memref<1x128xi32, #tpu.memory_space<vmem>> -> memref<128xi32, #tpu.memory_space<vmem>>
    %dma_start3A_54 = arith.constant 0 : i32
    %dma_start3A_55 = arith.constant 0 : i32
    %dma_start3A_56 = tpu.memref_slice %arg2[%dma_start3A_54, %dma_start3A_55] : memref<10240x128xf32, #tpu.memory_space<hbm>> -> memref<10240x128xf32, #tpu.memory_space<hbm>>
    tpu.enqueue_indirect_dma source(%dma_start3A_56 : memref<10240x128xf32, #tpu.memory_space<hbm>>) target(%arg9 : memref<128x128xf32, #tpu.memory_space<vmem>>) offsets(%dma_start3A_53 : memref<128xi32, #tpu.memory_space<vmem>>) semaphore(%arg12 : memref<!tpu.dma_semaphore, #tpu.memory_space<semaphore_mem>>)
    %scan3A_57 = arith.constant 0 : i32
    %scan3A_58 = arith.constant 0 : i32
    %scan3A_59 = arith.constant 20 : i32
    %scan3A_60 = arith.addi %scan3A_58, %scan3A_59 : i32
    %scan3A_61 = arith.constant 1 : i32
    scf.for %scan3A_68 = %scan3A_58 to %scan3A_60 step %scan3A_61  : i32 {
      %mul3A_69 = arith.constant 2 : i32
      %mul3A_70 = arith.muli %scan3A_68, %mul3A_69 : i32
      %add3A_71 = arith.constant 0 : i32
      %add3A_72 = arith.addi %mul3A_70, %add3A_71 : i32
      %dma_wait3A = arith.constant 0 : i32
      %dma_wait3A_73 = tpu.memref_slice %arg6[%add3A_72, %dma_wait3A] : memref<40x128xi32, #tpu.memory_space<vmem>> -> memref<1x128xi32, #tpu.memory_space<vmem>>
      %dma_wait3A_74 = tpu.memref_squeeze %dma_wait3A_73 : memref<1x128xi32, #tpu.memory_space<vmem>> -> memref<128xi32, #tpu.memory_space<vmem>>
      %dma_wait3A_75 = arith.constant 0 : i32
      %dma_wait3A_76 = arith.constant 0 : i32
      %dma_wait3A_77 = tpu.memref_slice %arg2[%dma_wait3A_75, %dma_wait3A_76] : memref<10240x128xf32, #tpu.memory_space<hbm>> -> memref<10240x128xf32, #tpu.memory_space<hbm>>
      tpu.wait_indirect_dma semaphore(%arg11 : memref<!tpu.dma_semaphore, #tpu.memory_space<semaphore_mem>>) src(%dma_wait3A_77 : memref<10240x128xf32, #tpu.memory_space<hbm>>) dst(%arg8 : memref<128x128xf32, #tpu.memory_space<vmem>>)
      "tpu.region"() ({
        %run_scoped3A = tpu.sem_alloc : memref<!tpu.dma_semaphore, #tpu.memory_space<semaphore_mem>>
        %dma_start3A_99 = arith.constant 0 : i32
        %dma_start3A_100 = tpu.memref_slice %arg7[%add3A_72, %dma_start3A_99] : memref<40x128xi32, #tpu.memory_space<vmem>> -> memref<1x128xi32, #tpu.memory_space<vmem>>
        %dma_start3A_101 = tpu.memref_squeeze %dma_start3A_100 : memref<1x128xi32, #tpu.memory_space<vmem>> -> memref<128xi32, #tpu.memory_space<vmem>>
        %dma_start3A_102 = arith.constant 0 : i32
        %dma_start3A_103 = arith.constant 0 : i32
        %dma_start3A_104 = tpu.memref_slice %arg10[%dma_start3A_102, %dma_start3A_103] : memref<10240x128xf32, #tpu.memory_space<vmem_shared>> -> memref<10240x128xf32, #tpu.memory_space<vmem_shared>>
        tpu.enqueue_indirect_dma source(%arg8 : memref<128x128xf32, #tpu.memory_space<vmem>>) target(%dma_start3A_104 : memref<10240x128xf32, #tpu.memory_space<vmem_shared>>) offsets(%dma_start3A_101 : memref<128xi32, #tpu.memory_space<vmem>>) semaphore(%run_scoped3A : memref<!tpu.dma_semaphore, #tpu.memory_space<semaphore_mem>>) {add = true}
        %dma_wait3A_105 = arith.constant 0 : i32
        %dma_wait3A_106 = tpu.memref_slice %arg7[%add3A_72, %dma_wait3A_105] : memref<40x128xi32, #tpu.memory_space<vmem>> -> memref<1x128xi32, #tpu.memory_space<vmem>>
        %dma_wait3A_107 = tpu.memref_squeeze %dma_wait3A_106 : memref<1x128xi32, #tpu.memory_space<vmem>> -> memref<128xi32, #tpu.memory_space<vmem>>
        %dma_wait3A_108 = arith.constant 0 : i32
        %dma_wait3A_109 = arith.constant 0 : i32
        %dma_wait3A_110 = tpu.memref_slice %arg10[%dma_wait3A_108, %dma_wait3A_109] : memref<10240x128xf32, #tpu.memory_space<vmem_shared>> -> memref<10240x128xf32, #tpu.memory_space<vmem_shared>>
        tpu.wait_indirect_dma semaphore(%run_scoped3A : memref<!tpu.dma_semaphore, #tpu.memory_space<semaphore_mem>>) src(%arg8 : memref<128x128xf32, #tpu.memory_space<vmem>>) dst(%dma_wait3A_110 : memref<10240x128xf32, #tpu.memory_space<vmem_shared>>)
        tpu.yield
      }) : () -> ()
      %add3A_78 = arith.constant 2 : i32
      %add3A_79 = arith.addi %add3A_72, %add3A_78 : i32
      %lt3A = arith.constant 40 : i32
      %lt3A_80 = arith.cmpi slt, %add3A_79, %lt3A : i32
      %convert_element_type3A = arith.extui %lt3A_80 : i1 to i32
      %cond3A = arith.constant 0 : i32
      %cond3A_81 = arith.cmpi ne, %convert_element_type3A, %cond3A : i32
      scf.if %cond3A_81 {
        %dma_start3A_99 = arith.constant 0 : i32
        %dma_start3A_100 = tpu.memref_slice %arg6[%add3A_79, %dma_start3A_99] : memref<40x128xi32, #tpu.memory_space<vmem>> -> memref<1x128xi32, #tpu.memory_space<vmem>>
        %dma_start3A_101 = tpu.memref_squeeze %dma_start3A_100 : memref<1x128xi32, #tpu.memory_space<vmem>> -> memref<128xi32, #tpu.memory_space<vmem>>
        %dma_start3A_102 = arith.constant 0 : i32
        %dma_start3A_103 = arith.constant 0 : i32
        %dma_start3A_104 = tpu.memref_slice %arg2[%dma_start3A_102, %dma_start3A_103] : memref<10240x128xf32, #tpu.memory_space<hbm>> -> memref<10240x128xf32, #tpu.memory_space<hbm>>
        tpu.enqueue_indirect_dma source(%dma_start3A_104 : memref<10240x128xf32, #tpu.memory_space<hbm>>) target(%arg8 : memref<128x128xf32, #tpu.memory_space<vmem>>) offsets(%dma_start3A_101 : memref<128xi32, #tpu.memory_space<vmem>>) semaphore(%arg11 : memref<!tpu.dma_semaphore, #tpu.memory_space<semaphore_mem>>)
      } else {
      }
      %mul3A_82 = arith.constant 2 : i32
      %mul3A_83 = arith.muli %scan3A_68, %mul3A_82 : i32
      %add3A_84 = arith.constant 1 : i32
      %add3A_85 = arith.addi %mul3A_83, %add3A_84 : i32
      %dma_wait3A_86 = arith.constant 0 : i32
      %dma_wait3A_87 = tpu.memref_slice %arg6[%add3A_85, %dma_wait3A_86] : memref<40x128xi32, #tpu.memory_space<vmem>> -> memref<1x128xi32, #tpu.memory_space<vmem>>
      %dma_wait3A_88 = tpu.memref_squeeze %dma_wait3A_87 : memref<1x128xi32, #tpu.memory_space<vmem>> -> memref<128xi32, #tpu.memory_space<vmem>>
      %dma_wait3A_89 = arith.constant 0 : i32
      %dma_wait3A_90 = arith.constant 0 : i32
      %dma_wait3A_91 = tpu.memref_slice %arg2[%dma_wait3A_89, %dma_wait3A_90] : memref<10240x128xf32, #tpu.memory_space<hbm>> -> memref<10240x128xf32, #tpu.memory_space<hbm>>
      tpu.wait_indirect_dma semaphore(%arg12 : memref<!tpu.dma_semaphore, #tpu.memory_space<semaphore_mem>>) src(%dma_wait3A_91 : memref<10240x128xf32, #tpu.memory_space<hbm>>) dst(%arg9 : memref<128x128xf32, #tpu.memory_space<vmem>>)
      "tpu.region"() ({
        %run_scoped3A = tpu.sem_alloc : memref<!tpu.dma_semaphore, #tpu.memory_space<semaphore_mem>>
        %dma_start3A_99 = arith.constant 0 : i32
        %dma_start3A_100 = tpu.memref_slice %arg7[%add3A_85, %dma_start3A_99] : memref<40x128xi32, #tpu.memory_space<vmem>> -> memref<1x128xi32, #tpu.memory_space<vmem>>
        %dma_start3A_101 = tpu.memref_squeeze %dma_start3A_100 : memref<1x128xi32, #tpu.memory_space<vmem>> -> memref<128xi32, #tpu.memory_space<vmem>>
        %dma_start3A_102 = arith.constant 0 : i32
        %dma_start3A_103 = arith.constant 0 : i32
        %dma_start3A_104 = tpu.memref_slice %arg10[%dma_start3A_102, %dma_start3A_103] : memref<10240x128xf32, #tpu.memory_space<vmem_shared>> -> memref<10240x128xf32, #tpu.memory_space<vmem_shared>>
        tpu.enqueue_indirect_dma source(%arg9 : memref<128x128xf32, #tpu.memory_space<vmem>>) target(%dma_start3A_104 : memref<10240x128xf32, #tpu.memory_space<vmem_shared>>) offsets(%dma_start3A_101 : memref<128xi32, #tpu.memory_space<vmem>>) semaphore(%run_scoped3A : memref<!tpu.dma_semaphore, #tpu.memory_space<semaphore_mem>>) {add = true}
        %dma_wait3A_105 = arith.constant 0 : i32
        %dma_wait3A_106 = tpu.memref_slice %arg7[%add3A_85, %dma_wait3A_105] : memref<40x128xi32, #tpu.memory_space<vmem>> -> memref<1x128xi32, #tpu.memory_space<vmem>>
        %dma_wait3A_107 = tpu.memref_squeeze %dma_wait3A_106 : memref<1x128xi32, #tpu.memory_space<vmem>> -> memref<128xi32, #tpu.memory_space<vmem>>
        %dma_wait3A_108 = arith.constant 0 : i32
        %dma_wait3A_109 = arith.constant 0 : i32
        %dma_wait3A_110 = tpu.memref_slice %arg10[%dma_wait3A_108, %dma_wait3A_109] : memref<10240x128xf32, #tpu.memory_space<vmem_shared>> -> memref<10240x128xf32, #tpu.memory_space<vmem_shared>>
        tpu.wait_indirect_dma semaphore(%run_scoped3A : memref<!tpu.dma_semaphore, #tpu.memory_space<semaphore_mem>>) src(%arg9 : memref<128x128xf32, #tpu.memory_space<vmem>>) dst(%dma_wait3A_110 : memref<10240x128xf32, #tpu.memory_space<vmem_shared>>)
        tpu.yield
      }) : () -> ()
      %add3A_92 = arith.constant 2 : i32
      %add3A_93 = arith.addi %add3A_85, %add3A_92 : i32
      %lt3A_94 = arith.constant 40 : i32
      %lt3A_95 = arith.cmpi slt, %add3A_93, %lt3A_94 : i32
      %convert_element_type3A_96 = arith.extui %lt3A_95 : i1 to i32
      %cond3A_97 = arith.constant 0 : i32
      %cond3A_98 = arith.cmpi ne, %convert_element_type3A_96, %cond3A_97 : i32
      scf.if %cond3A_98 {
        %dma_start3A_99 = arith.constant 0 : i32
        %dma_start3A_100 = tpu.memref_slice %arg6[%add3A_93, %dma_start3A_99] : memref<40x128xi32, #tpu.memory_space<vmem>> -> memref<1x128xi32, #tpu.memory_space<vmem>>
        %dma_start3A_101 = tpu.memref_squeeze %dma_start3A_100 : memref<1x128xi32, #tpu.memory_space<vmem>> -> memref<128xi32, #tpu.memory_space<vmem>>
        %dma_start3A_102 = arith.constant 0 : i32
        %dma_start3A_103 = arith.constant 0 : i32
        %dma_start3A_104 = tpu.memref_slice %arg2[%dma_start3A_102, %dma_start3A_103] : memref<10240x128xf32, #tpu.memory_space<hbm>> -> memref<10240x128xf32, #tpu.memory_space<hbm>>
        tpu.enqueue_indirect_dma source(%dma_start3A_104 : memref<10240x128xf32, #tpu.memory_space<hbm>>) target(%arg9 : memref<128x128xf32, #tpu.memory_space<vmem>>) offsets(%dma_start3A_101 : memref<128xi32, #tpu.memory_space<vmem>>) semaphore(%arg12 : memref<!tpu.dma_semaphore, #tpu.memory_space<semaphore_mem>>)
      } else {
      }
    }
    %scan3A_62 = arith.constant 20 : i32
    %barrier3A_63 = arith.constant 0 : index
    tpu.barrier barrier_id(%barrier3A_63)
    %mul3A_64 = arith.constant 640 : i32
    %mul3A_65 = arith.muli %arg1, %mul3A_64 : i32
    %mul3A_66 = arith.constant 640 : i32
    %mul3A_67 = arith.muli %arg1, %mul3A_66 : i32
    "tpu.region"() ({
      %run_scoped3A = tpu.sem_alloc : memref<!tpu.dma_semaphore, #tpu.memory_space<semaphore_mem>>
      %dma_start3A_68 = arith.constant 0 : i32
      %dma_start3A_69 = tpu.memref_slice %arg5[%arg0, %mul3A_67, %dma_start3A_68] : memref<2x10240x128xf32, #tpu.memory_space<hbm>> -> memref<1x640x128xf32, #tpu.memory_space<hbm>>
      %dma_start3A_70 = tpu.memref_squeeze %dma_start3A_69 : memref<1x640x128xf32, #tpu.memory_space<hbm>> -> memref<640x128xf32, #tpu.memory_space<hbm>>
      %dma_start3A_71 = arith.constant 0 : i32
      %dma_start3A_72 = tpu.memref_slice %arg10[%mul3A_65, %dma_start3A_71] : memref<10240x128xf32, #tpu.memory_space<vmem_shared>> -> memref<640x128xf32, #tpu.memory_space<vmem_shared>>
      tpu.enqueue_dma source(%dma_start3A_72 : memref<640x128xf32, #tpu.memory_space<vmem_shared>>) target(%dma_start3A_70 : memref<640x128xf32, #tpu.memory_space<hbm>>) target_semaphore(%run_scoped3A : memref<!tpu.dma_semaphore, #tpu.memory_space<semaphore_mem>>)
      %dma_wait3A = arith.constant 0 : i32
      %dma_wait3A_73 = tpu.memref_slice %arg5[%arg0, %mul3A_67, %dma_wait3A] : memref<2x10240x128xf32, #tpu.memory_space<hbm>> -> memref<1x640x128xf32, #tpu.memory_space<hbm>>
      %dma_wait3A_74 = tpu.memref_squeeze %dma_wait3A_73 : memref<1x640x128xf32, #tpu.memory_space<hbm>> -> memref<640x128xf32, #tpu.memory_space<hbm>>
      %dma_wait3A_75 = arith.constant 0 : i32
      %dma_wait3A_76 = tpu.memref_slice %arg10[%mul3A_65, %dma_wait3A_75] : memref<10240x128xf32, #tpu.memory_space<vmem_shared>> -> memref<640x128xf32, #tpu.memory_space<vmem_shared>>
      tpu.wait_dma2 semaphore(%run_scoped3A : memref<!tpu.dma_semaphore, #tpu.memory_space<semaphore_mem>>) src(%dma_wait3A_76 : memref<640x128xf32, #tpu.memory_space<vmem_shared>>) dst(%dma_wait3A_74 : memref<640x128xf32, #tpu.memory_space<hbm>>)
      tpu.yield
    }) : () -> ()
    return
  }
}

module attributes {stable_mosaic.version = 14 : i64} {
  func.func @_mm_body(%arg0: i32, %arg1: memref<512x128xf32, #tpu.memory_space<vmem>>, %arg2: memref<128x128xf32, #tpu.memory_space<vmem>>, %arg3: memref<2x512xf32, #tpu.memory_space<vmem>>, %arg4: memref<512x128xf32, #tpu.memory_space<vmem>>) attributes {dimension_semantics = [#tpu.dimension_semantics<arbitrary>], iteration_bounds = array<i64: 20>, scalar_prefetch = 0 : i64, scratch_operands = 0 : i64, tpu.core_type = #tpu.core_type<tc>, window_params = [{transform_indices = @transform_0, window_bounds = array<i64: 512, 128>}, {pipeline_mode = #tpu.pipeline_mode<synchronous>, transform_indices = @transform_1, window_bounds = array<i64: 128, 128>}, {transform_indices = @transform_2, window_bounds = array<i64: 2, 512>}, {transform_indices = @transform_3, window_bounds = array<i64: 512, 128>}]} {
    %get3A = arith.constant 0 : index
    %get3A_0 = arith.constant 0 : index
    %get3A_1 = vector.load %arg3[%get3A, %get3A_0] : memref<2x512xf32, #tpu.memory_space<vmem>>, vector<1x512xf32>
    %get3A_2 = vector.shape_cast %get3A_1 : vector<1x512xf32> to vector<512xf32>
    %get3A_3 = arith.constant 1 : index
    %get3A_4 = arith.constant 0 : index
    %get3A_5 = vector.load %arg3[%get3A_3, %get3A_4] : memref<2x512xf32, #tpu.memory_space<vmem>>, vector<1x512xf32>
    %get3A_6 = vector.shape_cast %get3A_5 : vector<1x512xf32> to vector<512xf32>
    %add3A = arith.addf %get3A_2, %get3A_6 : vector<512xf32>
    %add3A_7 = arith.constant 1.000000e+00 : f32
    %add3A_8 = vector.broadcast %add3A_7 : f32 to vector<512xf32>
    %add3A_9 = arith.addf %add3A, %add3A_8 : vector<512xf32>
    %rsqrt3A = math.rsqrt %add3A_9 : vector<512xf32>
    %get3A_10 = arith.constant 0 : index
    %get3A_11 = arith.constant 0 : index
    %get3A_12 = vector.load %arg1[%get3A_10, %get3A_11] : memref<512x128xf32, #tpu.memory_space<vmem>>, vector<512x128xf32>
    %get3A_13 = arith.constant 0 : index
    %get3A_14 = arith.constant 0 : index
    %get3A_15 = vector.load %arg2[%get3A_13, %get3A_14] : memref<128x128xf32, #tpu.memory_space<vmem>>, vector<128x128xf32>
    %dot_general3A = arith.constant dense<0.000000e+00> : vector<512x128xf32>
    %dot_general3A_16 = tpu.matmul %get3A_12, %get3A_15, %dot_general3A {dimension_numbers = #tpu.dot_dimension_numbers<[1], [0], [0], [1], [0, 0, 1, 1], [], []>, transpose_lhs_hint = false} : vector<512x128xf32>, vector<128x128xf32>, vector<512x128xf32> -> vector<512x128xf32>
    %broadcast_in_dim3A = vector.shape_cast %rsqrt3A : vector<512xf32> to vector<512x1xf32>
    %mul3A = vector.broadcast %broadcast_in_dim3A : vector<512x1xf32> to vector<512x128xf32>
    %mul3A_17 = arith.mulf %dot_general3A_16, %mul3A : vector<512x128xf32>
    %swap3A = arith.constant 0 : index
    %swap3A_18 = arith.constant 0 : index
    %swap3A_19 = vector.load %arg4[%swap3A, %swap3A_18] : memref<512x128xf32, #tpu.memory_space<vmem>>, vector<512x128xf32>
    tpu.vector_store %arg4[%swap3A, %swap3A_18], %mul3A_17 {strides = array<i32>} : memref<512x128xf32, #tpu.memory_space<vmem>>, vector<512x128xf32>,
    return
  }
  func.func @transform_0(%arg0: i32) -> (i32, i32) {
    %c0_i32 = arith.constant 0 : i32
    %c0_i32_0 = arith.constant 0 : i32
    return %arg0, %c0_i32 : i32, i32
  }
  func.func @transform_1(%arg0: i32) -> (i32, i32) {
    %c0_i32 = arith.constant 0 : i32
    %c0_i32_0 = arith.constant 0 : i32
    %c0_i32_1 = arith.constant 0 : i32
    return %c0_i32, %c0_i32_0 : i32, i32
  }
  func.func @transform_2(%arg0: i32) -> (i32, i32) {
    %c0_i32 = arith.constant 0 : i32
    %c0_i32_0 = arith.constant 0 : i32
    return %c0_i32, %arg0 : i32, i32
  }
  func.func @transform_3(%arg0: i32) -> (i32, i32) {
    %c0_i32 = arith.constant 0 : i32
    %c0_i32_0 = arith.constant 0 : i32
    return %arg0, %c0_i32 : i32, i32
  }
}

module attributes {stable_mosaic.version = 14 : i64} {
  func.func @_out_body(%arg0: i32, %arg1: memref<2x512x128xf32, #tpu.memory_space<vmem>>, %arg2: memref<512x128xf32, #tpu.memory_space<vmem>>, %arg3: memref<2x512xf32, #tpu.memory_space<vmem>>, %arg4: memref<1x128xf32, #tpu.memory_space<vmem>>, %arg5: memref<512x128xf32, #tpu.memory_space<vmem>>) attributes {dimension_semantics = [#tpu.dimension_semantics<arbitrary>], iteration_bounds = array<i64: 20>, scalar_prefetch = 0 : i64, scratch_operands = 0 : i64, tpu.core_type = #tpu.core_type<tc>, window_params = [{transform_indices = @transform_0, window_bounds = array<i64: 2, 512, 128>}, {transform_indices = @transform_1, window_bounds = array<i64: 512, 128>}, {transform_indices = @transform_2, window_bounds = array<i64: 2, 512>}, {pipeline_mode = #tpu.pipeline_mode<synchronous>, transform_indices = @transform_3, window_bounds = array<i64: 1, 128>}, {transform_indices = @transform_4, window_bounds = array<i64: 512, 128>}]} {
    %get3A = arith.constant 0 : index
    %get3A_0 = arith.constant 0 : index
    %get3A_1 = vector.load %arg3[%get3A, %get3A_0] : memref<2x512xf32, #tpu.memory_space<vmem>>, vector<1x512xf32>
    %get3A_2 = vector.shape_cast %get3A_1 : vector<1x512xf32> to vector<512xf32>
    %get3A_3 = arith.constant 1 : index
    %get3A_4 = arith.constant 0 : index
    %get3A_5 = vector.load %arg3[%get3A_3, %get3A_4] : memref<2x512xf32, #tpu.memory_space<vmem>>, vector<1x512xf32>
    %get3A_6 = vector.shape_cast %get3A_5 : vector<1x512xf32> to vector<512xf32>
    %add3A = arith.addf %get3A_2, %get3A_6 : vector<512xf32>
    %add3A_7 = arith.constant 1.000000e+00 : f32
    %add3A_8 = vector.broadcast %add3A_7 : f32 to vector<512xf32>
    %add3A_9 = arith.addf %add3A, %add3A_8 : vector<512xf32>
    %rsqrt3A = math.rsqrt %add3A_9 : vector<512xf32>
    %get3A_10 = arith.constant 0 : index
    %get3A_11 = arith.constant 0 : index
    %get3A_12 = arith.constant 0 : index
    %get3A_13 = vector.load %arg1[%get3A_10, %get3A_11, %get3A_12] : memref<2x512x128xf32, #tpu.memory_space<vmem>>, vector<1x512x128xf32>
    %get3A_14 = vector.shape_cast %get3A_13 : vector<1x512x128xf32> to vector<512x128xf32>
    %get3A_15 = arith.constant 1 : index
    %get3A_16 = arith.constant 0 : index
    %get3A_17 = arith.constant 0 : index
    %get3A_18 = vector.load %arg1[%get3A_15, %get3A_16, %get3A_17] : memref<2x512x128xf32, #tpu.memory_space<vmem>>, vector<1x512x128xf32>
    %get3A_19 = vector.shape_cast %get3A_18 : vector<1x512x128xf32> to vector<512x128xf32>
    %add3A_20 = arith.addf %get3A_14, %get3A_19 : vector<512x128xf32>
    %get3A_21 = arith.constant 0 : index
    %get3A_22 = arith.constant 0 : index
    %get3A_23 = vector.load %arg2[%get3A_21, %get3A_22] : memref<512x128xf32, #tpu.memory_space<vmem>>, vector<512x128xf32>
    %add3A_24 = arith.addf %add3A_20, %get3A_23 : vector<512x128xf32>
    %broadcast_in_dim3A = vector.shape_cast %rsqrt3A : vector<512xf32> to vector<512x1xf32>
    %mul3A = vector.broadcast %broadcast_in_dim3A : vector<512x1xf32> to vector<512x128xf32>
    %mul3A_25 = arith.mulf %add3A_24, %mul3A : vector<512x128xf32>
    %get3A_26 = arith.constant 0 : index
    %get3A_27 = arith.constant 0 : index
    %get3A_28 = vector.load %arg4[%get3A_26, %get3A_27] : memref<1x128xf32, #tpu.memory_space<vmem>>, vector<1x128xf32>
    %add3A_29 = vector.broadcast %get3A_28 : vector<1x128xf32> to vector<512x128xf32>
    %add3A_30 = arith.addf %mul3A_25, %add3A_29 : vector<512x128xf32>
    %reduce_max3A = arith.constant dense<0xFF800000> : vector<512xf32>
    %reduce_max3A_31 = vector.multi_reduction <maximumf>, %add3A_30, %reduce_max3A [1] : vector<512x128xf32> to vector<512xf32>
    %broadcast_in_dim3A_32 = vector.shape_cast %reduce_max3A_31 : vector<512xf32> to vector<512x1xf32>
    %sub3A = vector.broadcast %broadcast_in_dim3A_32 : vector<512x1xf32> to vector<512x128xf32>
    %sub3A_33 = arith.subf %add3A_30, %sub3A : vector<512x128xf32>
    %exp3A = math.exp %sub3A_33 : vector<512x128xf32>
    %reduce_sum3A = arith.constant dense<0.000000e+00> : vector<512xf32>
    %reduce_sum3A_34 = vector.multi_reduction <add>, %exp3A, %reduce_sum3A [1] : vector<512x128xf32> to vector<512xf32>
    %broadcast_in_dim3A_35 = vector.shape_cast %reduce_sum3A_34 : vector<512xf32> to vector<512x1xf32>
    %log3A = math.log %broadcast_in_dim3A_35 : vector<512x1xf32>
    %add3A_36 = arith.addf %log3A, %broadcast_in_dim3A_32 : vector<512x1xf32>
    %sub3A_37 = vector.broadcast %add3A_36 : vector<512x1xf32> to vector<512x128xf32>
    %sub3A_38 = arith.subf %add3A_30, %sub3A_37 : vector<512x128xf32>
    %swap3A = arith.constant 0 : index
    %swap3A_39 = arith.constant 0 : index
    %swap3A_40 = vector.load %arg5[%swap3A, %swap3A_39] : memref<512x128xf32, #tpu.memory_space<vmem>>, vector<512x128xf32>
    tpu.vector_store %arg5[%swap3A, %swap3A_39], %sub3A_38 {strides = array<i32>} : memref<512x128xf32, #tpu.memory_space<vmem>>, vector<512x128xf32>,
    return
  }
  func.func @transform_0(%arg0: i32) -> (i32, i32, i32) {
    %c0_i32 = arith.constant 0 : i32
    %c0_i32_0 = arith.constant 0 : i32
    %c0_i32_1 = arith.constant 0 : i32
    return %c0_i32, %arg0, %c0_i32_0 : i32, i32, i32
  }
  func.func @transform_1(%arg0: i32) -> (i32, i32) {
    %c0_i32 = arith.constant 0 : i32
    %c0_i32_0 = arith.constant 0 : i32
    return %arg0, %c0_i32 : i32, i32
  }
  func.func @transform_2(%arg0: i32) -> (i32, i32) {
    %c0_i32 = arith.constant 0 : i32
    %c0_i32_0 = arith.constant 0 : i32
    return %c0_i32, %arg0 : i32, i32
  }
  func.func @transform_3(%arg0: i32) -> (i32, i32) {
    %c0_i32 = arith.constant 0 : i32
    %c0_i32_0 = arith.constant 0 : i32
    %c0_i32_1 = arith.constant 0 : i32
    return %c0_i32, %c0_i32_0 : i32, i32
  }
  func.func @transform_4(%arg0: i32) -> (i32, i32) {
    %c0_i32 = arith.constant 0 : i32
    %c0_i32_0 = arith.constant 0 : i32
    return %arg0, %c0_i32 : i32, i32
  }
}

</mosaic_0001>

<sc_bundles>
// kernel: kernel.6.cloned.1.call-start
scs
__scs_entry_jumppad:
0x0: {  	(pc) =	sbr.rel $0x88, $3  }
0x1: {  	(tag) =	ssettag $0x0;
	lr =	simm.s32 $0x1  }
0x2: {  	[smem:$0x3F9D] =	sst lr;
	_ =	strace $0xD0000000  }
0x3: {  	_ = 	snop  }
0x4: {  	_ = 	snop  }
0x5: {  	_ = 	snop  }
0x6: {  	_ = 	snop  }
0x7: {  	_ = 	snop  }
__scs_overlays_trampoline_lowered:
0x8: {  	[smem:$0x3FAC] =	sst s0  }
0x9: {  	[smem:$0x3FAD] =	sst s1  }
0xa: {  	[smem:$0x3FAE] =	sst s2  }
0xb: {  	[smem:$0x3FAF] =	sst s3  }
0xc: {  	[smem:$0x3FB0] =	sst s4  }
0xd: {  	[smem:$0x3FB1] =	sst s5  }
0xe: {  	[smem:$0x3FB2] =	sst s6  }
0xf: {  	[smem:$0x3FB3] =	sst s7  }
0x10: {  	[smem:$0x3FB4] =	sst s8  }
0x11: {  	[smem:$0x3FB5] =	sst s9;
	s0 =	simm.s32 @!p0 $0x0  }
0x12: {  	s1 =	sld [smem:$0x3F9B];
	s0 =	simm.s32 @p0 $0x1  }
0x13: {  	[smem:$0x3FB6] =	sst s0;
	s0 =	simm.s32 @!p1 $0x0  }
0x14: {  	s2 =	sld [smem:$0x3F9A];
	s0 =	simm.s32 @p1 $0x1  }
0x15: {  	[smem:$0x3FB7] =	sst s0;
	s0 =	simm.s32 @!p2 $0x0  }
0x16: {  	s3 =	sld [smem:$0x3FDB];
	s0 =	simm.s32 @p2 $0x1  }
0x17: {  	s4 =	simm.s32 $0x1BF5;
	[smem:$0x3FB9] =	sst s0  }
0x18: {  	s0 =	sld [smem:$0x3F9C];
	_ =	swait.ge [sflag:s4], $0x0  }
0x19: {  	s7 =	sld [smem:$0x3F9D]  }
0x1a: {  	s8 =	sadd.s32 $0xFFFFE003, lr  }
0x1b: {  	s9 =	sadd.s32 $0xFFFFFEF7, lr;
	s5 =	simm.s32 $0xFFFFFFFF;
	p2 =	slt.u32 s8, $0xFFFFF086  }
0x1c: {  	p1 =	slt.u32 s9, $0xF7A;
	s5 =	simm.s32 @!p2 $0x0  }
0x1d: {  	s5 =	simm.s32 @p1 $0x1;
	p0 =	seq.s32 s7, s2  }
0x1e: {  	s7 =	smul.u32 @!p0 $0xF7A, s2;
	p2 =	seq.s32 @!p0 s5, $0x0  }
0x1f: {  	s9 =	smul.u32 $0xF7A, s1;
	s8 =	simm.s32 @!p0 $0x1BF5;
	p2 =	por !p2, p0  }
0x20: {  	[sflag:s8] =	ssyncset.s32 @!p0 $0xFFFFF086;
	s6 =	sadd.s32 @!p0 s3, s7;
	s7 =	simm.s32 @!p0 $0x108  }
0x21: {  	s3 =	sadd.s32 s3, s9;
	s6 =	sadd.s32 @!p0 $0x88, s6;
	s7 =	simm.s32 @p2 $0x1082  }
0x22: {  	[simem:s7], [sflag:s8] =	dma.local @!p0 [hbm:s6], $0xF7A  }
0x23: {  	s9 =	sor.u32 $0xD0000000, s2;
	s6 =	simm.s32 $0x108;
	_ =	swait.ge @!p0 [sflag:s8], $0x0  }
0x24: {  	s3 =	sadd.s32 $0x88, s3;
	s6 =	simm.s32 @!p1 $0x1082;
	[sflag:s4] =	ssyncset.s32 $0xFFFFF086  }
0x25: {  	[simem:s6], [sflag:s4] =	dma.local [hbm:s3], $0xF7A  }
0x26: {  	[smem:$0x3F9D] =	sst s1;
	(tag) =	ssettag s2;
	_ =	strace s9  }
0x27: {  	s1 =	sld [smem:$0x3FAD]  }
0x28: {  	s2 =	sld [smem:$0x3FAE]  }
0x29: {  	s4 =	sld [smem:$0x3FB0]  }
0x2a: {  	p0 =	seq.s32 s5, $0x0;
	s5 =	sld [smem:$0x3FB1]  }
0x2b: {  	s6 =	sld [smem:$0x3FB2]  }
0x2c: {  	s7 =	sld [smem:$0x3FB3]  }
0x2d: {  	s3 =	simm.s32 $0x108;
	s8 =	sld [smem:$0x3FB4]  }
0x2e: {  	s3 =	simm.s32 @!p0 $0x1082;
	s9 =	sld [smem:$0x3FB5]  }
0x2f: {  	lr =	sadd.s32 s0, s3;
	s0 =	sld [smem:$0x3FAC]  }
0x30: {  	s3 =	sld [smem:$0x3FAF]  }
0x31: {  	[smem:$0x3FB8] =	sst s10  }
0x32: {  	s10 =	sld [smem:$0x3FB6];
	_ =	sdelay $0x3  }
0x33: {  	p0 =	seq.s32 s10, $0x1;
	s10 =	sld [smem:$0x3FB8];
	_ =	sdelay $0x3  }
0x34: {  	[smem:$0x3FB8] =	sst s10  }
0x35: {  	s10 =	sld [smem:$0x3FB7];
	_ =	sdelay $0x3  }
0x36: {  	p1 =	seq.s32 s10, $0x1;
	s10 =	sld [smem:$0x3FB8];
	_ =	sdelay $0x3  }
0x37: {  	[smem:$0x3FB8] =	sst s10  }
0x38: {  	s10 =	sld [smem:$0x3FB9]  }
0x39: {  	_ = 	snop;
	(pc) =	sbr.ind lr, $3  }
0x3a: {  	_ = 	snop  }
0x3b: {  	_ = 	snop  }
0x3c: {  	p2 =	seq.s32 s10, $0x1;
	s10 =	sld [smem:$0x3FB8]  }
0x3d: {  	_ =	shalt  }
0x3e: {  	_ =	shalt  }
0x3f: {  	_ =	shalt  }
0x40: {  	_ =	shalt  }
0x41: {  	_ =	shalt  }
0x42: {  	_ =	shalt  }
0x43: {  	_ =	shalt  }
0x44: {  	_ =	shalt  }
0x45: {  	_ =	shalt  }
0x46: {  	_ =	shalt  }
0x47: {  	_ =	shalt  }
0x48: {  	_ =	shalt  }
0x49: {  	_ =	shalt  }
0x4a: {  	_ =	shalt  }
0x4b: {  	_ =	shalt  }
0x4c: {  	_ =	shalt  }
0x4d: {  	_ =	shalt  }
0x4e: {  	_ =	shalt  }
0x4f: {  	_ =	shalt  }
0x50: {  	_ =	shalt  }
0x51: {  	_ =	shalt  }
0x52: {  	_ =	shalt  }
0x53: {  	_ =	shalt  }
0x54: {  	_ =	shalt  }
0x55: {  	_ =	shalt  }
0x56: {  	_ =	shalt  }
0x57: {  	_ =	shalt  }
0x58: {  	_ =	shalt  }
0x59: {  	_ =	shalt  }
0x5a: {  	_ =	shalt  }
0x5b: {  	_ =	shalt  }
0x5c: {  	_ =	shalt  }
0x5d: {  	_ =	shalt  }
0x5e: {  	_ =	shalt  }
0x5f: {  	_ =	shalt  }
0x60: {  	_ =	shalt  }
0x61: {  	_ =	shalt  }
0x62: {  	_ =	shalt  }
0x63: {  	_ =	shalt  }
0x64: {  	_ =	shalt  }
0x65: {  	_ =	shalt  }
0x66: {  	_ =	shalt  }
0x67: {  	_ =	shalt  }
0x68: {  	_ =	shalt  }
0x69: {  	_ =	shalt  }
0x6a: {  	_ =	shalt  }
0x6b: {  	_ =	shalt  }
0x6c: {  	_ =	shalt  }
0x6d: {  	_ =	shalt  }
0x6e: {  	_ =	shalt  }
0x6f: {  	_ =	shalt  }
0x70: {  	_ =	shalt  }
0x71: {  	_ =	shalt  }
0x72: {  	_ =	shalt  }
0x73: {  	_ =	shalt  }
0x74: {  	_ =	shalt  }
0x75: {  	_ =	shalt  }
0x76: {  	_ =	shalt  }
0x77: {  	_ =	shalt  }
0x78: {  	_ =	shalt  }
0x79: {  	_ =	shalt  }
0x7a: {  	_ =	shalt  }
0x7b: {  	_ =	shalt  }
0x7c: {  	_ =	shalt  }
0x7d: {  	_ =	shalt  }
0x7e: {  	_ =	shalt  }
0x7f: {  	_ =	shalt  }
0x80: {  	_ =	shalt  }
0x81: {  	_ =	shalt  }
0x82: {  	_ =	shalt  }
0x83: {  	_ =	shalt  }
0x84: {  	_ =	shalt  }
0x85: {  	_ =	shalt  }
0x86: {  	_ =	shalt  }
0x87: {  	_ =	shalt  }
.Lfunc_end0:
.L_simem_size_0:
called_computation_lowered:
.L_overlay_start_0:
0x88: {  	s2 =	sld [smem:$0x3FD9]  }
0x89: {  	s3 =	sld [smem:$0x3FFE];
	_ =	sdelay $0x1  }
0x8a: {  	s1 =	srdreg.scid  }
0x8b: {  	s0 =	sand.u32 $0x1, s1  }
0x8c: {  	s16 =	sshll.u32 s0, $0xA;
	s2 =	sadd.s32 s3, s2  }
0x8d: {  	s2 =	sadd.s32 s2, s16  }
0x8e: {  	[smem:$0x3FC4] =	sst s2  }
0x8f: {  	_ = 	snop  }
0x90: {  	(tm) =	ssettm $0x1  }
0x91: {  	s17 =	sld [smem:$0x3FFB];
	_ =	sdelay $0x3  }
0x92: {  	_ =	strace s17  }
0x93: {  	s2 =	sld [smem:$0x3FFC];
	_ =	sdelay $0x3  }
0x94: {  	_ =	strace s2  }
0x95: {  	s2 =	sld [smem:$0x3FFD];
	_ =	sdelay $0x3  }
0x96: {  	_ =	strace s2  }
0x97: {  	_ =	strace $0x8FFFFFFF  }
0x98: {  	s18 =	sld [smem:$0x3FDB];
	_ =	sdelay $0x1  }
0x99: {  	s19 =	simm.s32 $_scs_section_size  }
0x9a: {  	s4 =	simm.s32 $_size__tile_overlayer_lowered;
	s5 =	simm.s32 $_tile_overlayer_lowered  }
0x9b: {  	s22 =	simm.s32 $0x1BFF;
	s21 =	sshll.u32 s5, $0x1;
	s2 =	sadd.s32 s19, s18  }
0x9c: {  	s6 =	simm.s32 $0x0;
	s20 =	sshll.u32 s4, $0x1;
	s4 =	sadd.s32 s21, s2  }
0x9d: {  	[timem:s6], [sflag:s22] =	dma.local [hbm:s4], s20  }
0x9e: {  	_ =	swait.ge [sflag:s22], s20  }
0x9f: {  	s3 =	ssub.s32 $0x0, s20;
	[sflag:s22] =	ssyncset.done $0x0  }
0xa0: {  	[sflag:s22] =	ssyncadd.s32 s3;
	_ =	sdelay $0x1  }
0xa1: {  	s23 =	simm.s32 $0x1B8B  }
0xa2: {  	_ =	swait.ge [sflag:s23], $0x1  }
0xa3: {  	[sflag:s23] =	ssyncset.done $0x0  }
0xa4: {  	s25 =	simm.s32 $0x1B8E;
	s24 =	sld [smem:$0x3FFE];
	[sflag:s23] =	ssyncadd.s32 $0xFFFFFFFF  }
0xa5: {  	s26 =	simm.s32 $execute0_lowered;
	[smem:$0x3FD2] =	sst s25  }
0xa6: {  	s4 =	sshll.u32 s26, $0x1;
	_ =	strace $0x80000046;
	[dreg:$0x1] =	wrdreg $0xFFFFFFFF  }
0xa7: {  	s28 =	simm.s32 $_size_execute0_lowered;
	s2 =	sadd.s32 s2, s4;
	[dreg:$0x0] =	wrdreg $0x0  }
0xa8: {  	s4 =	sshll.u32 s28, $0x1;
	[dreg:$0x2] =	wrdreg s2  }
0xa9: {  	[dreg:$0x3] =	wrdreg s4  }
0xaa: {  	[dreg:$0x4] =	wrdreg $0xC0  }
0xab: {  	_ =	task [dreg:s6], $0x5FFFF  }
0xac: {  	[dreg:$0x1] =	wrdreg $0xFFFFFFFF  }
0xad: {  	[dreg:$0x0] =	wrdreg $0x60  }
0xae: {  	[dreg:$0x2] =	wrdreg s24  }
0xaf: {  	[dreg:$0x3] =	wrdreg $0x2B000  }
0xb0: {  	[dreg:$0x4] =	wrdreg $0x9  }
0xb1: {  	_ =	task.clear_ibuf [dreg:s6], $0x5FFFF;
	_ =	strace $0x90000046  }
0xb2: {  	s29 =	simm.s32 $0x9;
	_ =	strace $0x80000048  }
0xb3: {  	_ =	swait.ge [sflag:s29], $0x1  }
0xb4: {  	[sflag:s29] =	ssyncadd.s32 $0xFFFFFFFF  }
0xb5: {  	_ =	strace $0x90000048  }
0xb6: {  	_ =	sfence  }
0xb7: {  	s30 =	sld [smem:$0x0];
	_ =	sdelay $0x2  }
0xb8: {  	s31 =	sshll.u32 s1, $0xD;
	s1 =	sshrl.u32 s1, $0x2  }
0xb9: {  	s3 =	sand.u32 $0x4000, s31;
	s1 =	sadd.s32 s1, s30  }
0xba: {  	s0 =	sor.u32 s3, s0;
	s1 =	sshll.u32 s1, $0x11  }
0xbb: {  	s0 =	sor.u32 s1, s0  }
0xbc: {  	s0 =	sadd.s32 $0x8F2B, s0  }
0xbd: {  	[sflag:s0] =	ssyncadd.remote.s32 $0x1  }
0xbe: {  	_ =	sfence.sel $0xFFFF  }
0xbf: {  	[dreg:$0x0] =	wrdreg $0xFFFFFFFF;
	(pc) =	sbr.abs _section_cstart, $3  }
0xc0: {  	[dreg:$0x1] =	wrdreg $0xFFFFFFFF  }
0xc1: {  	_ =	task.clear_ibuf [dreg:s6], $0x2FFFF;
	_ =	strace $0x9FFFFFFF  }
0xc2: {  	(tm) =	ssettm $0x7FFFFFFF  }
0xc3: {  	_ =	shalt  }
tec
execute0_lowered:
.L_overlay_start_1:
0x0: {  	(tag) =	ssettag $0x1  }
0x1: {  	s4 =	rddreg [dreg:$0x0]  }
0x2: {  	s2 =	rddreg [dreg:$0x1];
	s3 =	srdreg.scid  }
0x3: {  	s1 =	stileid.u32;
	s0 =	rddreg [dreg:$0x2];
	s10 =	simm.s32 $0x80  }
0x4: {  	s11 =	simm.s32 $0x2800;
	s14 =	simm.s32 $0x0;
	s5 =	sand.u32 $0x1, s3  }
0x5: {  	s6 =	smul.u32 $0x280, s1;
	s3 =	simm.s32 $0x0;
	s12 =	sshll.u32 s1, $0x6  }
0x6: {  	s7 =	sshll.u32 s5, $0x4;
	s8 =	smul.u32 $0x2800, s5;
	[smem:$0x7FF] =	sst s3  }
0x7: {  	s5 =	ssub.s32 $0x2, s5;
	s12 =	sor.u32 $0x1C01, s12;
	s7 =	sor.u32 s1, s7  }
0x8: {  	s9 =	sshrl.u32 s5, $0x1;
	s7 =	smul.u32 $0x500, s7;
	s8 =	sadd.s32 s6, s8  }
0x9: {  	_ =	strace $0x80000047;
	s9 =	ssub.s32 s5, s9;
	s8 =	sshrl.u32 s8, $0x3  }
0xa: {  	s7 =	sadd.s32 s7, s4;
	s8 =	sadd.s32 s8, s4;
	s4 =	sadd.s32 s6, s2  }
0xb: {  	s5 =	sadd.s32 $0x1A00, s7;
	s6 =	sadd.s32 $0xBA00, s8;
	s7 =	smax.u32 s9, $0x1  }
0xc: {  	v0 =	vimm.f32 $0.0e+00;
	v1 =	vimm.f32 $1.000000000e+00;
	s8 =	simm.s32 $0x2880;
	s9 =	simm.s32 $0x1;
	s13 =	sshrl.u32 s4, $0x3  }
.LBB2_1:
0xd: {  	[tilespmem:$0x2880] =	vst v0  }
0xe: {  	[tilespmem:$0x2890] =	vst v0  }
0xf: {  	[tilespmem:$0x28A0] =	vst v0  }
0x10: {  	[tilespmem:$0x28B0] =	vst v0  }
0x11: {  	[tilespmem:$0x28C0] =	vst v0  }
0x12: {  	[tilespmem:$0x28D0] =	vst v0  }
0x13: {  	[tilespmem:$0x28E0] =	vst v0  }
0x14: {  	[tilespmem:$0x28F0] =	vst v0  }
0x15: {  	[tilespmem:$0x2900] =	vst v0  }
0x16: {  	[tilespmem:$0x2910] =	vst v0  }
0x17: {  	[tilespmem:$0x2920] =	vst v0  }
0x18: {  	[tilespmem:$0x2930] =	vst v0  }
0x19: {  	[tilespmem:$0x2940] =	vst v0  }
0x1a: {  	[tilespmem:$0x2950] =	vst v0  }
0x1b: {  	[tilespmem:$0x2960] =	vst v0  }
0x1c: {  	[tilespmem:$0x2970] =	vst v0  }
0x1d: {  	[tilespmem:$0x2980] =	vst v0  }
0x1e: {  	[tilespmem:$0x2990] =	vst v0  }
0x1f: {  	[tilespmem:$0x29A0] =	vst v0  }
0x20: {  	[tilespmem:$0x29B0] =	vst v0  }
0x21: {  	[tilespmem:$0x29C0] =	vst v0  }
0x22: {  	[tilespmem:$0x29D0] =	vst v0  }
0x23: {  	[tilespmem:$0x29E0] =	vst v0  }
0x24: {  	[tilespmem:$0x29F0] =	vst v0  }
0x25: {  	[tilespmem:$0x2A00] =	vst v0  }
0x26: {  	[tilespmem:$0x2A10] =	vst v0  }
0x27: {  	[tilespmem:$0x2A20] =	vst v0  }
0x28: {  	[tilespmem:$0x2A30] =	vst v0  }
0x29: {  	[tilespmem:$0x2A40] =	vst v0  }
0x2a: {  	[tilespmem:$0x2A50] =	vst v0  }
0x2b: {  	[tilespmem:$0x2A60] =	vst v0  }
0x2c: {  	[tilespmem:$0x2A70] =	vst v0  }
0x2d: {  	[tilespmem:$0x2A80] =	vst v0  }
0x2e: {  	[tilespmem:$0x2A90] =	vst v0  }
0x2f: {  	[tilespmem:$0x2AA0] =	vst v0  }
0x30: {  	[tilespmem:$0x2AB0] =	vst v0  }
0x31: {  	[tilespmem:$0x2AC0] =	vst v0  }
0x32: {  	[tilespmem:$0x2AD0] =	vst v0  }
0x33: {  	[tilespmem:$0x2AE0] =	vst v0  }
0x34: {  	[tilespmem:$0x2AF0] =	vst v0  }
0x35: {  	[tilespmem:$0x2800] =	vst v1  }
0x36: {  	[tilespmem:$0x2810] =	vst v1  }
0x37: {  	[tilespmem:$0x2820] =	vst v1  }
0x38: {  	[tilespmem:$0x2830] =	vst v1  }
0x39: {  	[tilespmem:$0x2840] =	vst v1  }
0x3a: {  	[tilespmem:$0x2850] =	vst v1  }
0x3b: {  	[tilespmem:$0x2860] =	vst v1  }
0x3c: {  	[tilespmem:$0x2870] =	vst v1  }
0x3d: {  	[spmem:s4] =	stream.linear.scatter [tilespmem:s8], [sflag:$0x1], $0x280, $0x38;
	[tilespmem:$0x2D80] =	vst v63  }
0x3e: {  	_ =	swait.ge [sflag:s9], $0x280  }
0x3f: {  	[sflag:s9] =	ssyncset.done $0x0  }
0x40: {  	[sflag:s9] =	ssyncadd.s32 $0xFFFFFD80  }
0x41: {  	[tilespmem:s3], [sflag:$0x1] =	stream.linear.gather [hbm4b:s5+s3], $0x2800, $0x38;
	[tilespmem:$0x2D80] =	vst v63  }
0x42: {  	_ =	swait.ge [sflag:s9], $0x2800  }
0x43: {  	[sflag:s9] =	ssyncset.done $0x0  }
0x44: {  	[sflag:s9] =	ssyncadd.s32 $0xFFFFD800  }
0x45: {  	s15 =	simm.s32 $0x0;
	[bflag:$0x0] =	sbarrier.arrive $0xFFFF  }
0x46: {  	[spmem:s2] =	stream.indirect.scatter.add.f32 [tilespmem:s11], [sflag:$0x1], $0x1, s15, s10, $0xb8;
	[tilespmem:$0x2D80] =	vst v63  }
0x47: {  	_ =	swait.ge [sflag:s9], $0x80  }
0x48: {  	s15 =	simm.s32 $0x200;
	[sflag:s9] =	ssyncset.done $0x0  }
.LBB2_2:
0x49: {  	s16 =	sshra.s32 s15, $0x2;
	[sflag:s9] =	ssyncadd.s32 $0xFFFFFF80;
	p0 =	sne.s32 s15, $0x9E00  }
0x4a: {  	[spmem:s2] =	stream.indirect.scatter.add.f32 [tilespmem:s11], [sflag:$0x1], $0x1, s16, s10, $0xb8;
	[tilespmem:$0x2D80] =	vst v63  }
.Ltmp0:
0x4b: {  	_ = 	snop;
	(pc) =	sbr.rel @p0 .LBB2_2-.Ltmp0, $4  }
0x4c: {  	_ = 	snop  }
0x4d: {  	s15 =	sadd.s32 $0x200, s15  }
0x4e: {  	_ =	swait.ge [sflag:s9], $0x80  }
0x4f: {  	[sflag:s9] =	ssyncset.done $0x0  }
0x50: {  	s14 =	sadd.s32 $0x1, s14  }
0x51: {  	[sflag:s9] =	ssyncadd.s32 $0xFFFFFF80;
	p0 =	sne.s32 s14, s7  }
.Ltmp1:
0x52: {  	[bflag:$0x0] =	sbarrier.arrive $0xFFFF;
	(pc) =	sbr.rel @p0 .LBB2_1-.Ltmp1, $4  }
0x53: {  	[hbm:s6], [sflag:s12] =	dma.local [spmem:s13], $0x50  }
0x54: {  	_ =	swait.ge [sflag:s9], $0x50  }
0x55: {  	[sflag:s9] =	ssyncset.done $0x0  }
0x56: {  	[sflag:s9] =	ssyncadd.s32 $0xFFFFFFB0  }
0x57: {  	_ =	sfence.sel $0x180000  }
0x58: {  	[bflag:$0x0] =	sbarrier.arrive $0xFFFF  }
0x59: {  	p0 =	sne.s32 s1, $0x0;
	_ =	strace $0x90000047  }
0x5a: {  	s0 =	sadd.s32 @!p0 $0x100000, s0;
	[bflag:$0x2] =	sbarrier.arrive $0xFFFF  }
0x5b: {  	[sflag:s0] =	ssyncadd.tile.s32 @!p0 $0x1;
	_ =	shalt  }
.Lfunc_end2:
_tile_overlayer_lowered:
.L_overlay_start_2:
0x5c: {  	(tag) =	ssettag $0x2  }
0x5d: {  	s0 =	rddreg [dreg:$0x0];
	s2 =	stileid.u32  }
0x5e: {  	s1 =	rddreg [dreg:$0x1];
	p0 =	sne.s32 s2, $0x0  }
0x5f: {  	s3 =	rddreg [dreg:$0x2];
	[bflag:$0x3] =	sbarrier.arrive $0xFFFF;
	s2 =	simm.s32 @!p0 $0x1C01  }
0x60: {  	[timem:s3], [sflag:s2] =	dma.local @!p0 [hbm:s0], s1  }
0x61: {  	s0 =	simm.s32 @!p0 $0x1  }
0x62: {  	_ =	swait.ge @!p0 [sflag:s0], s1  }
0x63: {  	s1 =	ssub.s32 @!p0 $0x0, s1;
	[sflag:s0] =	ssyncset.done @!p0 $0x0  }
0x64: {  	[sflag:s0] =	ssyncadd.s32 @!p0 s1  }
0x65: {  	[bflag:$0x3] =	sbarrier.arrive $0xFFFF  }
0x66: {  	_ =	shalt  }

// kernel: kernel.9.cloned.1.call-start
scs
__scs_entry_jumppad:
0x0: {  	(pc) =	sbr.rel $0x88, $3  }
0x1: {  	(tag) =	ssettag $0x0;
	lr =	simm.s32 $0x1  }
0x2: {  	[smem:$0x3F9D] =	sst lr;
	_ =	strace $0xD0000000  }
0x3: {  	_ = 	snop  }
0x4: {  	_ = 	snop  }
0x5: {  	_ = 	snop  }
0x6: {  	_ = 	snop  }
0x7: {  	_ = 	snop  }
__scs_overlays_trampoline_lowered:
0x8: {  	[smem:$0x3FAC] =	sst s0  }
0x9: {  	[smem:$0x3FAD] =	sst s1  }
0xa: {  	[smem:$0x3FAE] =	sst s2  }
0xb: {  	[smem:$0x3FAF] =	sst s3  }
0xc: {  	[smem:$0x3FB0] =	sst s4  }
0xd: {  	[smem:$0x3FB1] =	sst s5  }
0xe: {  	[smem:$0x3FB2] =	sst s6  }
0xf: {  	[smem:$0x3FB3] =	sst s7  }
0x10: {  	[smem:$0x3FB4] =	sst s8  }
0x11: {  	[smem:$0x3FB5] =	sst s9;
	s0 =	simm.s32 @!p0 $0x0  }
0x12: {  	s1 =	sld [smem:$0x3F9B];
	s0 =	simm.s32 @p0 $0x1  }
0x13: {  	[smem:$0x3FB6] =	sst s0;
	s0 =	simm.s32 @!p1 $0x0  }
0x14: {  	s2 =	sld [smem:$0x3F9A];
	s0 =	simm.s32 @p1 $0x1  }
0x15: {  	[smem:$0x3FB7] =	sst s0;
	s0 =	simm.s32 @!p2 $0x0  }
0x16: {  	s3 =	sld [smem:$0x3FDB];
	s0 =	simm.s32 @p2 $0x1  }
0x17: {  	s4 =	simm.s32 $0x1BF5;
	[smem:$0x3FB9] =	sst s0  }
0x18: {  	s0 =	sld [smem:$0x3F9C];
	_ =	swait.ge [sflag:s4], $0x0  }
0x19: {  	s7 =	sld [smem:$0x3F9D]  }
0x1a: {  	s8 =	sadd.s32 $0xFFFFE003, lr  }
0x1b: {  	s9 =	sadd.s32 $0xFFFFFEF7, lr;
	s5 =	simm.s32 $0xFFFFFFFF;
	p2 =	slt.u32 s8, $0xFFFFF086  }
0x1c: {  	p1 =	slt.u32 s9, $0xF7A;
	s5 =	simm.s32 @!p2 $0x0  }
0x1d: {  	s5 =	simm.s32 @p1 $0x1;
	p0 =	seq.s32 s7, s2  }
0x1e: {  	s7 =	smul.u32 @!p0 $0xF7A, s2;
	p2 =	seq.s32 @!p0 s5, $0x0  }
0x1f: {  	s9 =	smul.u32 $0xF7A, s1;
	s8 =	simm.s32 @!p0 $0x1BF5;
	p2 =	por !p2, p0  }
0x20: {  	[sflag:s8] =	ssyncset.s32 @!p0 $0xFFFFF086;
	s6 =	sadd.s32 @!p0 s3, s7;
	s7 =	simm.s32 @!p0 $0x108  }
0x21: {  	s3 =	sadd.s32 s3, s9;
	s6 =	sadd.s32 @!p0 $0x88, s6;
	s7 =	simm.s32 @p2 $0x1082  }
0x22: {  	[simem:s7], [sflag:s8] =	dma.local @!p0 [hbm:s6], $0xF7A  }
0x23: {  	s9 =	sor.u32 $0xD0000000, s2;
	s6 =	simm.s32 $0x108;
	_ =	swait.ge @!p0 [sflag:s8], $0x0  }
0x24: {  	s3 =	sadd.s32 $0x88, s3;
	s6 =	simm.s32 @!p1 $0x1082;
	[sflag:s4] =	ssyncset.s32 $0xFFFFF086  }
0x25: {  	[simem:s6], [sflag:s4] =	dma.local [hbm:s3], $0xF7A  }
0x26: {  	[smem:$0x3F9D] =	sst s1;
	(tag) =	ssettag s2;
	_ =	strace s9  }
0x27: {  	s1 =	sld [smem:$0x3FAD]  }
0x28: {  	s2 =	sld [smem:$0x3FAE]  }
0x29: {  	s4 =	sld [smem:$0x3FB0]  }
0x2a: {  	p0 =	seq.s32 s5, $0x0;
	s5 =	sld [smem:$0x3FB1]  }
0x2b: {  	s6 =	sld [smem:$0x3FB2]  }
0x2c: {  	s7 =	sld [smem:$0x3FB3]  }
0x2d: {  	s3 =	simm.s32 $0x108;
	s8 =	sld [smem:$0x3FB4]  }
0x2e: {  	s3 =	simm.s32 @!p0 $0x1082;
	s9 =	sld [smem:$0x3FB5]  }
0x2f: {  	lr =	sadd.s32 s0, s3;
	s0 =	sld [smem:$0x3FAC]  }
0x30: {  	s3 =	sld [smem:$0x3FAF]  }
0x31: {  	[smem:$0x3FB8] =	sst s10  }
0x32: {  	s10 =	sld [smem:$0x3FB6];
	_ =	sdelay $0x3  }
0x33: {  	p0 =	seq.s32 s10, $0x1;
	s10 =	sld [smem:$0x3FB8];
	_ =	sdelay $0x3  }
0x34: {  	[smem:$0x3FB8] =	sst s10  }
0x35: {  	s10 =	sld [smem:$0x3FB7];
	_ =	sdelay $0x3  }
0x36: {  	p1 =	seq.s32 s10, $0x1;
	s10 =	sld [smem:$0x3FB8];
	_ =	sdelay $0x3  }
0x37: {  	[smem:$0x3FB8] =	sst s10  }
0x38: {  	s10 =	sld [smem:$0x3FB9]  }
0x39: {  	_ = 	snop;
	(pc) =	sbr.ind lr, $3  }
0x3a: {  	_ = 	snop  }
0x3b: {  	_ = 	snop  }
0x3c: {  	p2 =	seq.s32 s10, $0x1;
	s10 =	sld [smem:$0x3FB8]  }
0x3d: {  	_ =	shalt  }
0x3e: {  	_ =	shalt  }
0x3f: {  	_ =	shalt  }
0x40: {  	_ =	shalt  }
0x41: {  	_ =	shalt  }
0x42: {  	_ =	shalt  }
0x43: {  	_ =	shalt  }
0x44: {  	_ =	shalt  }
0x45: {  	_ =	shalt  }
0x46: {  	_ =	shalt  }
0x47: {  	_ =	shalt  }
0x48: {  	_ =	shalt  }
0x49: {  	_ =	shalt  }
0x4a: {  	_ =	shalt  }
0x4b: {  	_ =	shalt  }
0x4c: {  	_ =	shalt  }
0x4d: {  	_ =	shalt  }
0x4e: {  	_ =	shalt  }
0x4f: {  	_ =	shalt  }
0x50: {  	_ =	shalt  }
0x51: {  	_ =	shalt  }
0x52: {  	_ =	shalt  }
0x53: {  	_ =	shalt  }
0x54: {  	_ =	shalt  }
0x55: {  	_ =	shalt  }
0x56: {  	_ =	shalt  }
0x57: {  	_ =	shalt  }
0x58: {  	_ =	shalt  }
0x59: {  	_ =	shalt  }
0x5a: {  	_ =	shalt  }
0x5b: {  	_ =	shalt  }
0x5c: {  	_ =	shalt  }
0x5d: {  	_ =	shalt  }
0x5e: {  	_ =	shalt  }
0x5f: {  	_ =	shalt  }
0x60: {  	_ =	shalt  }
0x61: {  	_ =	shalt  }
0x62: {  	_ =	shalt  }
0x63: {  	_ =	shalt  }
0x64: {  	_ =	shalt  }
0x65: {  	_ =	shalt  }
0x66: {  	_ =	shalt  }
0x67: {  	_ =	shalt  }
0x68: {  	_ =	shalt  }
0x69: {  	_ =	shalt  }
0x6a: {  	_ =	shalt  }
0x6b: {  	_ =	shalt  }
0x6c: {  	_ =	shalt  }
0x6d: {  	_ =	shalt  }
0x6e: {  	_ =	shalt  }
0x6f: {  	_ =	shalt  }
0x70: {  	_ =	shalt  }
0x71: {  	_ =	shalt  }
0x72: {  	_ =	shalt  }
0x73: {  	_ =	shalt  }
0x74: {  	_ =	shalt  }
0x75: {  	_ =	shalt  }
0x76: {  	_ =	shalt  }
0x77: {  	_ =	shalt  }
0x78: {  	_ =	shalt  }
0x79: {  	_ =	shalt  }
0x7a: {  	_ =	shalt  }
0x7b: {  	_ =	shalt  }
0x7c: {  	_ =	shalt  }
0x7d: {  	_ =	shalt  }
0x7e: {  	_ =	shalt  }
0x7f: {  	_ =	shalt  }
0x80: {  	_ =	shalt  }
0x81: {  	_ =	shalt  }
0x82: {  	_ =	shalt  }
0x83: {  	_ =	shalt  }
0x84: {  	_ =	shalt  }
0x85: {  	_ =	shalt  }
0x86: {  	_ =	shalt  }
0x87: {  	_ =	shalt  }
.Lfunc_end0:
.L_simem_size_0:
called_computation.1_lowered:
.L_overlay_start_0:
0x88: {  	s2 =	sld [smem:$0x3FD9]  }
0x89: {  	s3 =	sld [smem:$0x3FFE];
	_ =	sdelay $0x1  }
0x8a: {  	s1 =	srdreg.scid  }
0x8b: {  	s0 =	sand.u32 $0x1, s1  }
0x8c: {  	s17 =	sshll.u32 s0, $0xA;
	s2 =	sadd.s32 s3, s2  }
0x8d: {  	s2 =	sadd.s32 s2, s17  }
0x8e: {  	[smem:$0x3FC4] =	sst s2  }
0x8f: {  	_ = 	snop  }
0x90: {  	s2 =	sld [smem:$0x3FD0];
	(tm) =	ssettm $0x1  }
0x91: {  	s18 =	sld [smem:$0x3FFB];
	_ =	sdelay $0x3  }
0x92: {  	_ =	strace s18  }
0x93: {  	s3 =	sld [smem:$0x3FFC];
	_ =	sdelay $0x3  }
0x94: {  	_ =	strace s3  }
0x95: {  	s3 =	sld [smem:$0x3FFD];
	_ =	sdelay $0x3  }
0x96: {  	_ =	strace s3  }
0x97: {  	_ =	strace $0x8FFFFFFF  }
0x98: {  	s19 =	sld [smem:$0x3FDB];
	_ =	sdelay $0x1  }
0x99: {  	s4 =	simm.s32 $_scs_section_size  }
0x9a: {  	s5 =	simm.s32 $_size__tile_overlayer_lowered;
	s6 =	simm.s32 $_tile_overlayer_lowered  }
0x9b: {  	s22 =	simm.s32 $0x1BFF;
	s21 =	sshll.u32 s6, $0x1;
	s3 =	sadd.s32 s4, s19  }
0x9c: {  	s7 =	simm.s32 $0x0;
	s20 =	sshll.u32 s5, $0x1;
	s5 =	sadd.s32 s21, s3  }
0x9d: {  	[timem:s7], [sflag:s22] =	dma.local [hbm:s5], s20  }
0x9e: {  	_ =	swait.ge [sflag:s22], s20  }
0x9f: {  	s4 =	ssub.s32 $0x0, s20;
	[sflag:s22] =	ssyncset.done $0x0  }
0xa0: {  	[sflag:s22] =	ssyncadd.s32 s4;
	_ =	sdelay $0x1  }
0xa1: {  	s23 =	simm.s32 $0x1B8B  }
0xa2: {  	_ =	swait.ge [sflag:s23], $0x1  }
0xa3: {  	[sflag:s23] =	ssyncset.done $0x0  }
0xa4: {  	s25 =	simm.s32 $0x1B8E;
	s24 =	sld [smem:$0x3FFE];
	[sflag:s23] =	ssyncadd.s32 $0xFFFFFFFF  }
0xa5: {  	s26 =	simm.s32 $execute0_lowered;
	[smem:$0x3FD2] =	sst s25  }
0xa6: {  	s5 =	sshll.u32 s26, $0x1;
	_ =	strace $0x80000049;
	[dreg:$0x1] =	wrdreg $0xFFFFFFFF  }
0xa7: {  	s28 =	simm.s32 $_size_execute0_lowered;
	s3 =	sadd.s32 s3, s5;
	[dreg:$0x0] =	wrdreg $0x0  }
0xa8: {  	s5 =	sshll.u32 s28, $0x1;
	[dreg:$0x2] =	wrdreg s3  }
0xa9: {  	[dreg:$0x3] =	wrdreg s5  }
0xaa: {  	[dreg:$0x4] =	wrdreg $0xC0  }
0xab: {  	_ =	task [dreg:s7], $0x5FFFF  }
0xac: {  	[dreg:$0x1] =	wrdreg $0xFFFFFFFF  }
0xad: {  	[dreg:$0x0] =	wrdreg $0x60  }
0xae: {  	[dreg:$0x2] =	wrdreg s24  }
0xaf: {  	[dreg:$0x3] =	wrdreg s2  }
0xb0: {  	[dreg:$0x4] =	wrdreg $0xA8000  }
0xb1: {  	[dreg:$0x5] =	wrdreg $0x9  }
0xb2: {  	_ =	task.clear_ibuf [dreg:s7], $0x6FFFF;
	_ =	strace $0x90000049  }
0xb3: {  	s29 =	simm.s32 $0x9;
	_ =	strace $0x8000004B  }
0xb4: {  	_ =	swait.ge [sflag:s29], $0x1  }
0xb5: {  	[sflag:s29] =	ssyncadd.s32 $0xFFFFFFFF  }
0xb6: {  	_ =	strace $0x9000004B  }
0xb7: {  	_ =	sfence  }
0xb8: {  	s30 =	sld [smem:$0x0];
	_ =	sdelay $0x2  }
0xb9: {  	s31 =	sshll.u32 s1, $0xD;
	s1 =	sshrl.u32 s1, $0x2  }
0xba: {  	s3 =	sand.u32 $0x4000, s31;
	s1 =	sadd.s32 s1, s30  }
0xbb: {  	s0 =	sor.u32 s3, s0;
	s1 =	sshll.u32 s1, $0x11  }
0xbc: {  	s0 =	sor.u32 s1, s0  }
0xbd: {  	s0 =	sadd.s32 $0x8F2B, s0  }
0xbe: {  	[sflag:s0] =	ssyncadd.remote.s32 $0x1  }
0xbf: {  	_ =	sfence.sel $0xFFFF  }
0xc0: {  	[dreg:$0x0] =	wrdreg $0xFFFFFFFF;
	(pc) =	sbr.abs _section_cstart, $3  }
0xc1: {  	[dreg:$0x1] =	wrdreg $0xFFFFFFFF  }
0xc2: {  	_ =	task.clear_ibuf [dreg:s7], $0x2FFFF;
	_ =	strace $0x9FFFFFFF  }
0xc3: {  	(tm) =	ssettm $0x7FFFFFFF  }
tec
execute0_lowered:
.L_overlay_start_1:
0x0: {  	(tag) =	ssettag $0x1  }
0x1: {  	s5 =	rddreg [dreg:$0x0]  }
0x2: {  	s8 =	rddreg [dreg:$0x1]  }
0x3: {  	s1 =	rddreg [dreg:$0x2];
	s2 =	srdreg.scid  }
0x4: {  	s0 =	rddreg [dreg:$0x3];
	s3 =	simm.s32 $0x0;
	s16 =	simm.s32 $0x2800  }
0x5: {  	s17 =	simm.s32 $0x3;
	s18 =	simm.s32 $0x1400;
	s19 =	simm.s32 $0x80  }
0x6: {  	s20 =	simm.s32 $0x6800;
	s21 =	simm.s32 $0x1;
	s22 =	simm.s32 $0x2  }
0x7: {  	s23 =	simm.s32 $0x2700;
	s6 =	sand.u32 $0x1, s2;
	s2 =	stileid.u32  }
0x8: {  	s24 =	simm.s32 $0x2780;
	[smem:$0x7FF] =	sst s3;
	s7 =	smul.u32 $0x140000, s6  }
0x9: {  	s4 =	sadd.s32 $0xBA00, s5;
	s10 =	sadd.s32 $0x1A00, s5;
	s9 =	smul.u32 $0x14000, s2  }
0xa: {  	_ =	strace $0x8000004A;
	s25 =	sshll.u32 s6, $0x4;
	s11 =	smul.u32 $0x50000, s2  }
0xb: {  	s26 =	ssub.s32 $0x2, s6;
	s7 =	sadd.s32 s9, s7;
	s9 =	sor.u32 s2, s25  }
0xc: {  	s29 =	sshrl.u32 s26, $0x1;
	s11 =	sshrl.u32 s11, $0x2;
	s28 =	smul.u32 $0x2800, s9  }
0xd: {  	s13 =	ssub.s32 s26, s29;
	s7 =	sshrl.u32 s7, $0x3;
	s9 =	smul.u32 $0x500, s9  }
0xe: {  	s25 =	simm.s32 $0x0;
	s12 =	sadd.s32 s7, s5;
	s5 =	sadd.s32 s11, s1  }
0xf: {  	s11 =	smax.u32 s13, $0x1;
	s30 =	sshrl.u32 s28, $0x3;
	s6 =	sadd.s32 s8, s9  }
0x10: {  	s7 =	sadd.s32 s10, s9;
	s13 =	sadd.s32 $0x8000, s5;
	s31 =	sadd.s32 $0x280, s30  }
0x11: {  	s14 =	sadd.s32 $0xC000, s5;
	s15 =	sadd.s32 $0x10000, s5;
	s8 =	sadd.s32 s8, s31  }
0x12: {  	v0 =	vimm.f32 $0.0e+00;
	s9 =	sadd.s32 s10, s31;
	s10 =	sadd.s32 $0x33A00, s12;
	s12 =	sadd.s32 $0x4000, s5  }
.LBB2_1:
0x13: {  	s26 =	sand.u32 $0xFE00, s3  }
0x14: {  	s28 =	sand.u32 $0x70, s3;
	s29 =	sshrl.u32 s26, $0x2  }
0x15: {  	s26 =	simm.s32 $0x40;
	s29 =	sor.u32 s28, s29;
	s28 =	simm.s32 $0x0  }
.LBB2_2:
0x16: {  	p0 =	sne.s32 s26, $0xFFC0  }
0x17: {  	[tilespmem:s29+$0x2800] =	vst v0;
	s28 =	sadd.s32 $0x10, s28;
	s29 =	smov.u32 s26;
	s26 =	sadd.s32 $0x40, s26  }
.Ltmp0:
0x18: {  	(pc) =	sbr.rel @p0 .LBB2_2-.Ltmp0, $4  }
0x19: {  	_ = 	snop  }
0x1a: {  	s29 =	sand.u32 $0xFE00, s29  }
0x1b: {  	s30 =	sand.u32 $0x70, s28;
	s29 =	sshrl.u32 s29, $0x2  }
0x1c: {  	s29 =	sor.u32 s30, s29  }
0x1d: {  	[tilespmem:s29+$0x2800] =	vst v0  }
0x1e: {  	[spmem:s5] =	stream.linear.scatter [tilespmem:s16], [sflag:$0x3], $0x4000, $0x38;
	[tilespmem:$0x1E800] =	vst v63  }
0x1f: {  	_ =	swait.ge [sflag:s17], $0x4000  }
0x20: {  	[sflag:s17] =	ssyncset.done $0x0  }
0x21: {  	[sflag:s17] =	ssyncadd.s32 $0xFFFFC000  }
0x22: {  	[spmem:s12] =	stream.linear.scatter [tilespmem:s16], [sflag:$0x3], $0x4000, $0x38;
	[tilespmem:$0x1E800] =	vst v63  }
0x23: {  	_ =	swait.ge [sflag:s17], $0x4000  }
0x24: {  	[sflag:s17] =	ssyncset.done $0x0  }
0x25: {  	[sflag:s17] =	ssyncadd.s32 $0xFFFFC000  }
0x26: {  	[spmem:s13] =	stream.linear.scatter [tilespmem:s16], [sflag:$0x3], $0x4000, $0x38;
	[tilespmem:$0x1E800] =	vst v63  }
0x27: {  	_ =	swait.ge [sflag:s17], $0x4000  }
0x28: {  	[sflag:s17] =	ssyncset.done $0x0  }
0x29: {  	[sflag:s17] =	ssyncadd.s32 $0xFFFFC000  }
0x2a: {  	[spmem:s14] =	stream.linear.scatter [tilespmem:s16], [sflag:$0x3], $0x4000, $0x38;
	[tilespmem:$0x1E800] =	vst v63  }
0x2b: {  	_ =	swait.ge [sflag:s17], $0x4000  }
0x2c: {  	[sflag:s17] =	ssyncset.done $0x0  }
0x2d: {  	[sflag:s17] =	ssyncadd.s32 $0xFFFFC000  }
0x2e: {  	[spmem:s15] =	stream.linear.scatter [tilespmem:s16], [sflag:$0x3], $0x4000, $0x38;
	[tilespmem:$0x1E800] =	vst v63  }
0x2f: {  	_ =	swait.ge [sflag:s17], $0x4000  }
0x30: {  	[sflag:s17] =	ssyncset.done $0x0  }
0x31: {  	[sflag:s17] =	ssyncadd.s32 $0xFFFFC000  }
0x32: {  	s26 =	simm.s32 $0x0;
	[bflag:$0x0] =	sbarrier.arrive $0xFFFF  }
0x33: {  	[tilespmem:s26], [sflag:$0x3] =	stream.linear.gather [hbm4b:s6+s26], $0x1400, $0x38;
	[tilespmem:$0x1E800] =	vst v63  }
0x34: {  	_ =	swait.ge [sflag:s17], $0x1400  }
0x35: {  	[sflag:s17] =	ssyncset.done $0x0  }
0x36: {  	[sflag:s17] =	ssyncadd.s32 $0xFFFFEC00  }
0x37: {  	[tilespmem:s18], [sflag:$0x3] =	stream.linear.gather [hbm4b:s7+s26], $0x1400, $0x38;
	[tilespmem:$0x1E800] =	vst v63  }
0x38: {  	_ =	swait.ge [sflag:s17], $0x1400  }
0x39: {  	[sflag:s17] =	ssyncset.done $0x0  }
0x3a: {  	[sflag:s17] =	ssyncadd.s32 $0xFFFFEC00  }
0x3b: {  	[tilespmem:s16], [sflag:$0x1] =	stream.indirect.gather [hbm4b:s4+s19], $0x80, s26, s19, $0xb8;
	[tilespmem:$0x1E800] =	vst v63  }
0x3c: {  	_ = 	snop  }
0x3d: {  	[tilespmem:s20], [sflag:$0x2] =	stream.indirect.gather [hbm4b:s4+s19], $0x80, s19, s19, $0xb8;
	[tilespmem:$0x1E800] =	vst v63  }
0x3e: {  	_ =	swait.ge [sflag:s21], $0x4000  }
0x3f: {  	[sflag:s21] =	ssyncset.done $0x0  }
0x40: {  	s29 =	simm.s32 $0x1400;
	[sflag:s21] =	ssyncadd.s32 $0xFFFFC000  }
0x41: {  	[spmem:s1] =	stream.indirect.scatter.add.f32 [tilespmem:s16], [sflag:$0x3], $0x80, s29, s19, $0xb8;
	[tilespmem:$0x1E800] =	vst v63  }
0x42: {  	_ =	swait.ge [sflag:s17], $0x4000  }
0x43: {  	[sflag:s17] =	ssyncset.done $0x0  }
0x44: {  	s30 =	simm.s32 $0x100;
	[sflag:s17] =	ssyncadd.s32 $0xFFFFC000  }
0x45: {  	[tilespmem:s16], [sflag:$0x1] =	stream.indirect.gather [hbm4b:s4+s19], $0x80, s30, s19, $0xb8;
	[tilespmem:$0x1E800] =	vst v63  }
0x46: {  	_ =	swait.ge [sflag:s22], $0x4000  }
0x47: {  	[sflag:s22] =	ssyncset.done $0x0  }
0x48: {  	s31 =	simm.s32 $0x1480;
	[sflag:s22] =	ssyncadd.s32 $0xFFFFC000  }
0x49: {  	[spmem:s1] =	stream.indirect.scatter.add.f32 [tilespmem:s20], [sflag:$0x3], $0x80, s31, s19, $0xb8;
	[tilespmem:$0x1E800] =	vst v63  }
0x4a: {  	_ =	swait.ge [sflag:s17], $0x4000  }
0x4b: {  	[sflag:s17] =	ssyncset.done $0x0  }
0x4c: {  	s28 =	simm.s32 $0x180;
	s26 =	simm.s32 $0x400;
	[sflag:s17] =	ssyncadd.s32 $0xFFFFC000  }
.LBB2_4:
0x4d: {  	[tilespmem:s20], [sflag:$0x2] =	stream.indirect.gather [hbm4b:s4+s19], $0x80, s28, s19, $0xb8;
	[tilespmem:$0x1E800] =	vst v63  }
0x4e: {  	s28 =	smov.u32 s26  }
0x4f: {  	p0 =	sne.s32 s26, $0x4800;
	s26 =	sadd.s32 $0x400, s26;
	_ =	swait.ge [sflag:s21], $0x4000  }
0x50: {  	s28 =	sshra.s32 s28, $0x2;
	[sflag:s21] =	ssyncset.done $0x0  }
0x51: {  	s29 =	sadd.s32 $0x1400, s28;
	[sflag:s21] =	ssyncadd.s32 $0xFFFFC000  }
0x52: {  	[spmem:s1] =	stream.indirect.scatter.add.f32 [tilespmem:s16], [sflag:$0x3], $0x80, s29, s19, $0xb8;
	[tilespmem:$0x1E800] =	vst v63  }
0x53: {  	_ =	swait.ge [sflag:s17], $0x4000  }
0x54: {  	[sflag:s17] =	ssyncset.done $0x0  }
0x55: {  	s29 =	sadd.s32 $0x100, s28;
	[sflag:s17] =	ssyncadd.s32 $0xFFFFC000  }
0x56: {  	[tilespmem:s16], [sflag:$0x1] =	stream.indirect.gather [hbm4b:s4+s19], $0x80, s29, s19, $0xb8;
	[tilespmem:$0x1E800] =	vst v63  }
0x57: {  	_ =	swait.ge [sflag:s22], $0x4000  }
0x58: {  	[sflag:s22] =	ssyncset.done $0x0  }
.Ltmp1:
0x59: {  	s29 =	sadd.s32 $0x1480, s28;
	[sflag:s22] =	ssyncadd.s32 $0xFFFFC000;
	(pc) =	sbr.rel @p0 .LBB2_4-.Ltmp1, $4  }
0x5a: {  	[spmem:s1] =	stream.indirect.scatter.add.f32 [tilespmem:s20], [sflag:$0x3], $0x80, s29, s19, $0xb8;
	[tilespmem:$0x1E800] =	vst v63  }
0x5b: {  	_ =	swait.ge [sflag:s17], $0x4000  }
0x5c: {  	[sflag:s17] =	ssyncset.done $0x0  }
0x5d: {  	s28 =	sadd.s32 $0x180, s28;
	[sflag:s17] =	ssyncadd.s32 $0xFFFFC000  }
0x5e: {  	[tilespmem:s20], [sflag:$0x2] =	stream.indirect.gather [hbm4b:s4+s19], $0x80, s28, s19, $0xb8;
	[tilespmem:$0x1E800] =	vst v63  }
0x5f: {  	_ =	swait.ge [sflag:s21], $0x4000  }
0x60: {  	[sflag:s21] =	ssyncset.done $0x0  }
0x61: {  	[sflag:s21] =	ssyncadd.s32 $0xFFFFC000  }
0x62: {  	[spmem:s1] =	stream.indirect.scatter.add.f32 [tilespmem:s16], [sflag:$0x3], $0x80, s23, s19, $0xb8;
	[tilespmem:$0x1E800] =	vst v63  }
0x63: {  	_ =	swait.ge [sflag:s17], $0x4000  }
0x64: {  	[sflag:s17] =	ssyncset.done $0x0  }
0x65: {  	[sflag:s17] =	ssyncadd.s32 $0xFFFFC000  }
0x66: {  	_ =	swait.ge [sflag:s22], $0x4000  }
0x67: {  	[sflag:s22] =	ssyncset.done $0x0  }
0x68: {  	[sflag:s22] =	ssyncadd.s32 $0xFFFFC000  }
0x69: {  	[spmem:s1] =	stream.indirect.scatter.add.f32 [tilespmem:s20], [sflag:$0x3], $0x80, s24, s19, $0xb8;
	[tilespmem:$0x1E800] =	vst v63  }
0x6a: {  	_ =	swait.ge [sflag:s17], $0x4000  }
0x6b: {  	[sflag:s17] =	ssyncset.done $0x0  }
0x6c: {  	s26 =	simm.s32 $0x0;
	[sflag:s17] =	ssyncadd.s32 $0xFFFFC000  }
0x6d: {  	[tilespmem:s26], [sflag:$0x3] =	stream.linear.gather [hbm4b:s8+s26], $0x1400, $0x38;
	[tilespmem:$0x1E800] =	vst v63  }
0x6e: {  	_ =	swait.ge [sflag:s17], $0x1400  }
0x6f: {  	[sflag:s17] =	ssyncset.done $0x0  }
0x70: {  	[sflag:s17] =	ssyncadd.s32 $0xFFFFEC00  }
0x71: {  	[tilespmem:s18], [sflag:$0x3] =	stream.linear.gather [hbm4b:s9+s26], $0x1400, $0x38;
	[tilespmem:$0x1E800] =	vst v63  }
0x72: {  	_ =	swait.ge [sflag:s17], $0x1400  }
0x73: {  	[sflag:s17] =	ssyncset.done $0x0  }
0x74: {  	[sflag:s17] =	ssyncadd.s32 $0xFFFFEC00  }
0x75: {  	[tilespmem:s16], [sflag:$0x1] =	stream.indirect.gather [hbm4b:s4+s19], $0x80, s26, s19, $0xb8;
	[tilespmem:$0x1E800] =	vst v63  }
0x76: {  	_ = 	snop  }
0x77: {  	[tilespmem:s20], [sflag:$0x2] =	stream.indirect.gather [hbm4b:s4+s19], $0x80, s19, s19, $0xb8;
	[tilespmem:$0x1E800] =	vst v63  }
0x78: {  	_ =	swait.ge [sflag:s21], $0x4000  }
0x79: {  	[sflag:s21] =	ssyncset.done $0x0  }
0x7a: {  	s29 =	simm.s32 $0x1400;
	[sflag:s21] =	ssyncadd.s32 $0xFFFFC000  }
0x7b: {  	[spmem:s1] =	stream.indirect.scatter.add.f32 [tilespmem:s16], [sflag:$0x3], $0x80, s29, s19, $0xb8;
	[tilespmem:$0x1E800] =	vst v63  }
0x7c: {  	_ =	swait.ge [sflag:s17], $0x4000  }
0x7d: {  	[sflag:s17] =	ssyncset.done $0x0  }
0x7e: {  	s30 =	simm.s32 $0x100;
	[sflag:s17] =	ssyncadd.s32 $0xFFFFC000  }
0x7f: {  	[tilespmem:s16], [sflag:$0x1] =	stream.indirect.gather [hbm4b:s4+s19], $0x80, s30, s19, $0xb8;
	[tilespmem:$0x1E800] =	vst v63  }
0x80: {  	_ =	swait.ge [sflag:s22], $0x4000  }
0x81: {  	[sflag:s22] =	ssyncset.done $0x0  }
0x82: {  	s31 =	simm.s32 $0x1480;
	[sflag:s22] =	ssyncadd.s32 $0xFFFFC000  }
0x83: {  	[spmem:s1] =	stream.indirect.scatter.add.f32 [tilespmem:s20], [sflag:$0x3], $0x80, s31, s19, $0xb8;
	[tilespmem:$0x1E800] =	vst v63  }
0x84: {  	_ =	swait.ge [sflag:s17], $0x4000  }
0x85: {  	[sflag:s17] =	ssyncset.done $0x0  }
0x86: {  	s28 =	simm.s32 $0x180;
	s26 =	simm.s32 $0x400;
	[sflag:s17] =	ssyncadd.s32 $0xFFFFC000  }
.LBB2_6:
0x87: {  	[tilespmem:s20], [sflag:$0x2] =	stream.indirect.gather [hbm4b:s4+s19], $0x80, s28, s19, $0xb8;
	[tilespmem:$0x1E800] =	vst v63  }
0x88: {  	s28 =	smov.u32 s26  }
0x89: {  	p0 =	sne.s32 s26, $0x4800;
	s26 =	sadd.s32 $0x400, s26;
	_ =	swait.ge [sflag:s21], $0x4000  }
0x8a: {  	s28 =	sshra.s32 s28, $0x2;
	[sflag:s21] =	ssyncset.done $0x0  }
0x8b: {  	s29 =	sadd.s32 $0x1400, s28;
	[sflag:s21] =	ssyncadd.s32 $0xFFFFC000  }
0x8c: {  	[spmem:s1] =	stream.indirect.scatter.add.f32 [tilespmem:s16], [sflag:$0x3], $0x80, s29, s19, $0xb8;
	[tilespmem:$0x1E800] =	vst v63  }
0x8d: {  	_ =	swait.ge [sflag:s17], $0x4000  }
0x8e: {  	[sflag:s17] =	ssyncset.done $0x0  }
0x8f: {  	s29 =	sadd.s32 $0x100, s28;
	[sflag:s17] =	ssyncadd.s32 $0xFFFFC000  }
0x90: {  	[tilespmem:s16], [sflag:$0x1] =	stream.indirect.gather [hbm4b:s4+s19], $0x80, s29, s19, $0xb8;
	[tilespmem:$0x1E800] =	vst v63  }
0x91: {  	_ =	swait.ge [sflag:s22], $0x4000  }
0x92: {  	[sflag:s22] =	ssyncset.done $0x0  }
.Ltmp2:
0x93: {  	s29 =	sadd.s32 $0x1480, s28;
	[sflag:s22] =	ssyncadd.s32 $0xFFFFC000;
	(pc) =	sbr.rel @p0 .LBB2_6-.Ltmp2, $4  }
0x94: {  	[spmem:s1] =	stream.indirect.scatter.add.f32 [tilespmem:s20], [sflag:$0x3], $0x80, s29, s19, $0xb8;
	[tilespmem:$0x1E800] =	vst v63  }
0x95: {  	_ =	swait.ge [sflag:s17], $0x4000  }
0x96: {  	[sflag:s17] =	ssyncset.done $0x0  }
0x97: {  	s28 =	sadd.s32 $0x180, s28;
	[sflag:s17] =	ssyncadd.s32 $0xFFFFC000  }
0x98: {  	[tilespmem:s20], [sflag:$0x2] =	stream.indirect.gather [hbm4b:s4+s19], $0x80, s28, s19, $0xb8;
	[tilespmem:$0x1E800] =	vst v63  }
0x99: {  	_ =	swait.ge [sflag:s21], $0x4000  }
0x9a: {  	[sflag:s21] =	ssyncset.done $0x0  }
0x9b: {  	[sflag:s21] =	ssyncadd.s32 $0xFFFFC000  }
0x9c: {  	[spmem:s1] =	stream.indirect.scatter.add.f32 [tilespmem:s16], [sflag:$0x3], $0x80, s23, s19, $0xb8;
	[tilespmem:$0x1E800] =	vst v63  }
0x9d: {  	_ =	swait.ge [sflag:s17], $0x4000  }
0x9e: {  	[sflag:s17] =	ssyncset.done $0x0  }
0x9f: {  	[sflag:s17] =	ssyncadd.s32 $0xFFFFC000  }
0xa0: {  	_ =	swait.ge [sflag:s22], $0x4000  }
0xa1: {  	[sflag:s22] =	ssyncset.done $0x0  }
0xa2: {  	[sflag:s22] =	ssyncadd.s32 $0xFFFFC000  }
0xa3: {  	[spmem:s1] =	stream.indirect.scatter.add.f32 [tilespmem:s20], [sflag:$0x3], $0x80, s24, s19, $0xb8;
	[tilespmem:$0x1E800] =	vst v63  }
0xa4: {  	_ =	swait.ge [sflag:s17], $0x4000  }
0xa5: {  	s26 =	sshll.u32 s2, $0x6;
	s25 =	sadd.s32 $0x1, s25;
	[sflag:s17] =	ssyncset.done $0x0  }
0xa6: {  	s31 =	sshrl.u32 s5, $0x3;
	p0 =	sne.s32 s25, s11;
	[sflag:s17] =	ssyncadd.s32 $0xFFFFC000  }
.Ltmp3:
0xa7: {  	s26 =	sor.u32 $0x1C03, s26;
	[bflag:$0x0] =	sbarrier.arrive $0xFFFF;
	(pc) =	sbr.rel @p0 .LBB2_1-.Ltmp3, $4  }
0xa8: {  	[hbm:s10], [sflag:s26] =	dma.local [spmem:s31], $0x2800  }
0xa9: {  	_ =	swait.ge [sflag:s17], $0x2800  }
0xaa: {  	[sflag:s17] =	ssyncset.done $0x0  }
0xab: {  	[sflag:s17] =	ssyncadd.s32 $0xFFFFD800  }
0xac: {  	_ =	sfence.sel $0x180000  }
0xad: {  	[bflag:$0x0] =	sbarrier.arrive $0xFFFF  }
0xae: {  	p0 =	sne.s32 s2, $0x0;
	_ =	strace $0x9000004A  }
0xaf: {  	s0 =	sadd.s32 @!p0 $0x100000, s0;
	[bflag:$0x2] =	sbarrier.arrive $0xFFFF  }
0xb0: {  	[sflag:s0] =	ssyncadd.tile.s32 @!p0 $0x1;
	_ =	shalt  }
.Lfunc_end2:
_tile_overlayer_lowered:
.L_overlay_start_2:
0xb1: {  	(tag) =	ssettag $0x2  }
0xb2: {  	s0 =	rddreg [dreg:$0x0];
	s2 =	stileid.u32  }
0xb3: {  	s1 =	rddreg [dreg:$0x1];
	p0 =	sne.s32 s2, $0x0  }
0xb4: {  	s3 =	rddreg [dreg:$0x2];
	[bflag:$0x3] =	sbarrier.arrive $0xFFFF;
	s2 =	simm.s32 @!p0 $0x1C03  }
0xb5: {  	[timem:s3], [sflag:s2] =	dma.local @!p0 [hbm:s0], s1  }
0xb6: {  	s0 =	simm.s32 @!p0 $0x3  }
0xb7: {  	_ =	swait.ge @!p0 [sflag:s0], s1  }
0xb8: {  	s1 =	ssub.s32 @!p0 $0x0, s1;
	[sflag:s0] =	ssyncset.done @!p0 $0x0  }
0xb9: {  	[sflag:s0] =	ssyncadd.s32 @!p0 s1  }
0xba: {  	[bflag:$0x3] =	sbarrier.arrive $0xFFFF  }
0xbb: {  	_ =	shalt  }

</sc_bundles>
